<compile_context>
chip_gen: v7x
topology: tpu7x:2x2x1
jax: 0.10.2.dev20260603
libtpu: 0.0.44.dev20260713+nightly
codegen_flags: <defaults>
</compile_context>

<pallas_src>
import functools

import jax
import jax.numpy as jnp
from jax import lax
from jax.experimental import pallas as pl
from jax.experimental.pallas import tpu as pltpu, tpu_sc as plsc

_RADIUS = 0.2
_NSAMPLE = 32
_B = 4
_N = 4096
_NW = 32
_ROWS_PER_W = (_B * _N) // _NW
_W_PER_B = _N // _ROWS_PER_W
_L = 16
_R2 = _RADIUS * _RADIUS


def _sc_ball_query():
    mesh = plsc.VectorSubcoreMesh(core_axis_name="c", subcore_axis_name="s")

    @functools.partial(
        pl.kernel,
        out_type=jax.ShapeDtypeStruct((_B * _N * _NSAMPLE,), jnp.int32),
        mesh=mesh,
        scratch_types=[
            pltpu.VMEM((_N,), jnp.float32),
            pltpu.VMEM((_N,), jnp.float32),
            pltpu.VMEM((_N,), jnp.float32),
            pltpu.VMEM((1024,), jnp.int32),
            pltpu.VMEM((_ROWS_PER_W * _NSAMPLE,), jnp.int32),
        ],
        compiler_params=pltpu.CompilerParams(needs_layout_passes=False),
    )
    def k(xyz_hbm, out_hbm, cx, cy, cz, row, outbuf):
        wid = lax.axis_index("c") * 16 + lax.axis_index("s")
        b = wid // _W_PER_B
        r0 = (wid % _W_PER_B) * _ROWS_PER_W

        pltpu.sync_copy(xyz_hbm.at[pl.ds((b * 3 + 0) * _N, _N)], cx)
        pltpu.sync_copy(xyz_hbm.at[pl.ds((b * 3 + 1) * _N, _N)], cy)
        pltpu.sync_copy(xyz_hbm.at[pl.ds((b * 3 + 2) * _N, _N)], cz)

        iota = jnp.arange(_L, dtype=jnp.int32)
        zeros = jnp.zeros((_L,), jnp.int32)

        def per_query(qi, carry):
            q = r0 + qi
            qsplat = jnp.full((_L,), q, jnp.int32)
            qx = plsc.load_gather(cx, [qsplat])
            qy = plsc.load_gather(cy, [qsplat])
            qz = plsc.load_gather(cz, [qsplat])

            def scan_block(jbase, cnt):
                ms, pcs = [], []
                for u in range(16):
                    sl = pl.ds(jbase + u * _L, _L)
                    dx = cx[sl] - qx
                    dy = cy[sl] - qy
                    dz = cz[sl] - qz
                    d2 = (dx * dx + dy * dy) + dz * dz
                    m = d2 < _R2
                    ms.append(m)
                    pc = plsc.all_reduce_population_count(m)
                    pcs.append(lax.squeeze(lax.slice(pc, (0,), (1,)), (0,)))
                for u in range(16):
                    idxv = iota + (jbase + u * _L)
                    plsc.store_compressed(row.at[pl.ds(cnt, _L)], idxv,
                                          mask=ms[u])
                    cnt = cnt + pcs[u]
                return cnt

            def scan_block8(jbase, cnt):
                ms, pcs = [], []
                for u in range(8):
                    sl = pl.ds(jbase + u * _L, _L)
                    dx = cx[sl] - qx
                    dy = cy[sl] - qy
                    dz = cz[sl] - qz
                    d2 = (dx * dx + dy * dy) + dz * dz
                    m = d2 < _R2
                    ms.append(m)
                    pc = plsc.all_reduce_population_count(m)
                    pcs.append(lax.squeeze(lax.slice(pc, (0,), (1,)), (0,)))
                for u in range(8):
                    idxv = iota + (jbase + u * _L)
                    plsc.store_compressed(row.at[pl.ds(cnt, _L)], idxv,
                                          mask=ms[u])
                    cnt = cnt + pcs[u]
                return cnt

            cnt = jnp.int32(0)
            for t in range(3):
                cnt = scan_block(t * 16 * _L, cnt)

            def cond(state):
                j, cnt = state
                return jnp.logical_and(j < _N, cnt < _NSAMPLE)

            def body(state):
                j, cnt = state
                return j + 8 * _L, scan_block8(j, cnt)

            _, cnt = lax.while_loop(cond, body, (jnp.int32(48 * _L), cnt))

            r0v = row[pl.ds(0, _L)]
            r1v = row[pl.ds(_L, _L)]
            first = jnp.min(jnp.where(iota < cnt, r0v, jnp.int32(1 << 30)))
            o0 = jnp.where(iota < cnt, r0v, first)
            o1 = jnp.where(iota + _L < cnt, r1v, first)
            obase = qi * _NSAMPLE
            outbuf[pl.ds(obase, _L)] = o0
            outbuf[pl.ds(obase + _L, _L)] = o1
            return carry

        lax.fori_loop(0, _ROWS_PER_W, per_query, 0)
        out_off = (b * _N + r0) * _NSAMPLE
        pltpu.sync_copy(outbuf, out_hbm.at[pl.ds(out_off, _ROWS_PER_W * _NSAMPLE)])

    return k


def kernel(xyz, xyz_new):
    del xyz_new
    xyz_flat = jnp.transpose(xyz, (0, 2, 1)).reshape(-1)
    out_flat = _sc_ball_query()(xyz_flat)
    return out_flat.reshape(_B, _N, _NSAMPLE)

# --- scband reference (transcript-rebuilt; emitter-appended) ---
"""Pipeline reference for scband-ball-query-and-group-37014028157086 (READ-ONLY COPY).

The authoritative reference and input builder live on the scoring server;
editing this copy changes nothing except your own understanding.
"""

import jax, jax.numpy as jnp
import numpy as np

RADIUS = 0.2
NSAMPLE = 32


def setup_inputs(seed: int = 0) -> dict:
    key = jax.random.key(seed)
    k1, k2 = jax.random.split(key)
    xyz = jax.random.uniform(k1, (4, 4096, 3), dtype=jnp.float32)
    xyz_new = jax.random.uniform(k2, (4, 4096, 3), dtype=jnp.float32)
    return {"xyz": xyz, "xyz_new": xyz_new}


def _ball_query(radius, nsample, xyz, new_xyz):
    # Faithful reimplementation of pointnet2_utils.ball_query:
    # for each query point, return indices of the FIRST `nsample` points
    # (in ascending index order) whose squared distance < radius^2.
    # Slots beyond the found count are filled with the first found index.
    B, N, _ = xyz.shape
    M = new_xyz.shape[1]
    # pairwise squared distances [B, M, N]
    d2 = jnp.sum((new_xyz[:, :, None, :] - xyz[:, None, :, :]) ** 2, axis=-1)
    mask = d2 < (radius * radius)
    arange = jnp.arange(N, dtype=jnp.int32)[None, None, :]
    cand = jnp.where(mask, arange, jnp.int32(N))
    # ascending sort pushes valid (smallest) indices first, preserving index order
    cand = jnp.sort(cand, axis=-1)[:, :, :nsample]
    first = cand[:, :, :1]
    idx = jnp.where(cand == N, first, cand)
    # if no point within radius at all (cannot happen when new_xyz==xyz), fall back to 0
    idx = jnp.where(idx == N, jnp.int32(0), idx)
    return idx.astype(jnp.int32)


def reference(xyz, xyz_new):
    # original module calls ball_query(radius, nsample, xyz, xyz) -- it ignores xyz_new
    return _ball_query(RADIUS, NSAMPLE, xyz, xyz)

if __name__ == "__main__":
    import jax
    _d = setup_inputs()
    print(jax.jit(kernel)(*tuple(_d.values())))

</pallas_src>

<mosaic_0001>
#map = affine_map<(d0, d1) -> (0)>
module attributes {stable_mosaic.version = 14 : i64} {
  func.func @k(%arg0: i32, %arg1: i32, %arg2: memref<49152xf32, #tpu.memory_space<hbm>>, %arg3: memref<524288xi32, #tpu.memory_space<hbm>>, %arg4: memref<4096xf32, #tpu.memory_space<vmem>>, %arg5: memref<4096xf32, #tpu.memory_space<vmem>>, %arg6: memref<4096xf32, #tpu.memory_space<vmem>>, %arg7: memref<1024xi32, #tpu.memory_space<vmem>>, %arg8: memref<16384xi32, #tpu.memory_space<vmem>>) attributes {dimension_semantics = [#tpu.dimension_semantics<core_parallel>, #tpu.dimension_semantics<subcore_parallel>], iteration_bounds = array<i64: 2, 16>, scalar_prefetch = 0 : i64, scratch_operands = 5 : i64, tpu.core_type = #tpu.core_type<sc_vector_subcore>, window_params = [{transform_indices = #map}, {transform_indices = #map}]} {
    %mul3A = arith.constant 16 : i32
    %mul3A_0 = arith.muli %arg0, %mul3A : i32
    %add3A = arith.addi %mul3A_0, %arg1 : i32
    %jit3A = arith.constant 8 : i32
    %div3A = arith.divsi %add3A, %jit3A : i32
    %sign3A = arith.constant 0 : i32
    %sign3A_1 = arith.cmpi sgt, %add3A, %sign3A : i32
    %sign3A_2 = arith.extui %sign3A_1 : i1 to i32
    %sign3A_3 = arith.constant 0 : i32
    %sign3A_4 = arith.cmpi slt, %add3A, %sign3A_3 : i32
    %sign3A_5 = arith.extui %sign3A_4 : i1 to i32
    %sign3A_6 = arith.subi %sign3A_2, %sign3A_5 : i32
    %sign3A_7 = arith.constant 0 : i32
    %sign3A_8 = arith.cmpi sgt, %jit3A, %sign3A_7 : i32
    %sign3A_9 = arith.extui %sign3A_8 : i1 to i32
    %sign3A_10 = arith.constant 0 : i32
    %sign3A_11 = arith.cmpi slt, %jit3A, %sign3A_10 : i32
    %sign3A_12 = arith.extui %sign3A_11 : i1 to i32
    %sign3A_13 = arith.subi %sign3A_9, %sign3A_12 : i32
    %ne3A = arith.cmpi ne, %sign3A_6, %sign3A_13 : i32
    %rem3A = arith.remsi %add3A, %jit3A : i32
    %ne3A_14 = arith.constant 0 : i32
    %ne3A_15 = arith.cmpi ne, %rem3A, %ne3A_14 : i32
    %and3A = arith.andi %ne3A, %ne3A_15 : i1
    %sub3A = arith.constant 1 : i32
    %sub3A_16 = arith.subi %div3A, %sub3A : i32
    %select_n3A = arith.select %and3A, %sub3A_16, %div3A : i32
    %jit3A_17 = arith.constant 8 : i32
    %eq3A = arith.constant 0 : i32
    %eq3A_18 = arith.cmpi eq, %jit3A_17, %eq3A : i32
    %jit3A_19 = arith.constant 1 : i32
    %select_n3A_20 = arith.select %eq3A_18, %jit3A_19, %jit3A_17 : i32
    %rem3A_21 = arith.remsi %add3A, %select_n3A_20 : i32
    %ne3A_22 = arith.constant 0 : i32
    %ne3A_23 = arith.cmpi ne, %rem3A_21, %ne3A_22 : i32
    %lt3A = arith.constant 0 : i32
    %lt3A_24 = arith.cmpi slt, %rem3A_21, %lt3A : i32
    %lt3A_25 = arith.constant 0 : i32
    %lt3A_26 = arith.cmpi slt, %select_n3A_20, %lt3A_25 : i32
    %ne3A_27 = arith.xori %lt3A_24, %lt3A_26 : i1
    %and3A_28 = arith.andi %ne3A_27, %ne3A_23 : i1
    %add3A_29 = arith.addi %rem3A_21, %select_n3A_20 : i32
    %select_n3A_30 = arith.select %and3A_28, %add3A_29, %rem3A_21 : i32
    %mul3A_31 = arith.constant 512 : i32
    %mul3A_32 = arith.muli %select_n3A_30, %mul3A_31 : i32
    %mul3A_33 = arith.constant 3 : i32
    %mul3A_34 = arith.muli %select_n3A, %mul3A_33 : i32
    %add3A_35 = arith.constant 0 : i32
    %add3A_36 = arith.addi %mul3A_34, %add3A_35 : i32
    %mul3A_37 = arith.constant 4096 : i32
    %mul3A_38 = arith.muli %add3A_36, %mul3A_37 : i32
    "tpu.region"() ({
      %run_scoped3A = tpu.sem_alloc : memref<!tpu.dma_semaphore, #tpu.memory_space<semaphore_mem>>
      %dma_start3A = tpu.memref_slice %arg2[%mul3A_38] : memref<49152xf32, #tpu.memory_space<hbm>> -> memref<4096xf32, #tpu.memory_space<hbm>>
      %dma_start3A_62 = tpu.memref_slice %arg2[%mul3A_38] : memref<49152xf32, #tpu.memory_space<hbm>> -> memref<4096xf32, #tpu.memory_space<hbm>>
      tpu.enqueue_dma source(%dma_start3A_62 : memref<4096xf32, #tpu.memory_space<hbm>>) target(%arg4 : memref<4096xf32, #tpu.memory_space<vmem>>) target_semaphore(%run_scoped3A : memref<!tpu.dma_semaphore, #tpu.memory_space<semaphore_mem>>)
      %dma_wait3A = tpu.memref_slice %arg2[%mul3A_38] : memref<49152xf32, #tpu.memory_space<hbm>> -> memref<4096xf32, #tpu.memory_space<hbm>>
      %dma_wait3A_63 = tpu.memref_slice %arg2[%mul3A_38] : memref<49152xf32, #tpu.memory_space<hbm>> -> memref<4096xf32, #tpu.memory_space<hbm>>
      tpu.wait_dma2 semaphore(%run_scoped3A : memref<!tpu.dma_semaphore, #tpu.memory_space<semaphore_mem>>) src(%dma_wait3A_63 : memref<4096xf32, #tpu.memory_space<hbm>>) dst(%arg4 : memref<4096xf32, #tpu.memory_space<vmem>>)
      tpu.yield
    }) : () -> ()
    %mul3A_39 = arith.constant 3 : i32
    %mul3A_40 = arith.muli %select_n3A, %mul3A_39 : i32
    %add3A_41 = arith.constant 1 : i32
    %add3A_42 = arith.addi %mul3A_40, %add3A_41 : i32
    %mul3A_43 = arith.constant 4096 : i32
    %mul3A_44 = arith.muli %add3A_42, %mul3A_43 : i32
    "tpu.region"() ({
      %run_scoped3A = tpu.sem_alloc : memref<!tpu.dma_semaphore, #tpu.memory_space<semaphore_mem>>
      %dma_start3A = tpu.memref_slice %arg2[%mul3A_44] : memref<49152xf32, #tpu.memory_space<hbm>> -> memref<4096xf32, #tpu.memory_space<hbm>>
      %dma_start3A_62 = tpu.memref_slice %arg2[%mul3A_44] : memref<49152xf32, #tpu.memory_space<hbm>> -> memref<4096xf32, #tpu.memory_space<hbm>>
      tpu.enqueue_dma source(%dma_start3A_62 : memref<4096xf32, #tpu.memory_space<hbm>>) target(%arg5 : memref<4096xf32, #tpu.memory_space<vmem>>) target_semaphore(%run_scoped3A : memref<!tpu.dma_semaphore, #tpu.memory_space<semaphore_mem>>)
      %dma_wait3A = tpu.memref_slice %arg2[%mul3A_44] : memref<49152xf32, #tpu.memory_space<hbm>> -> memref<4096xf32, #tpu.memory_space<hbm>>
      %dma_wait3A_63 = tpu.memref_slice %arg2[%mul3A_44] : memref<49152xf32, #tpu.memory_space<hbm>> -> memref<4096xf32, #tpu.memory_space<hbm>>
      tpu.wait_dma2 semaphore(%run_scoped3A : memref<!tpu.dma_semaphore, #tpu.memory_space<semaphore_mem>>) src(%dma_wait3A_63 : memref<4096xf32, #tpu.memory_space<hbm>>) dst(%arg5 : memref<4096xf32, #tpu.memory_space<vmem>>)
      tpu.yield
    }) : () -> ()
    %mul3A_45 = arith.constant 3 : i32
    %mul3A_46 = arith.muli %select_n3A, %mul3A_45 : i32
    %add3A_47 = arith.constant 2 : i32
    %add3A_48 = arith.addi %mul3A_46, %add3A_47 : i32
    %mul3A_49 = arith.constant 4096 : i32
    %mul3A_50 = arith.muli %add3A_48, %mul3A_49 : i32
    "tpu.region"() ({
      %run_scoped3A = tpu.sem_alloc : memref<!tpu.dma_semaphore, #tpu.memory_space<semaphore_mem>>
      %dma_start3A = tpu.memref_slice %arg2[%mul3A_50] : memref<49152xf32, #tpu.memory_space<hbm>> -> memref<4096xf32, #tpu.memory_space<hbm>>
      %dma_start3A_62 = tpu.memref_slice %arg2[%mul3A_50] : memref<49152xf32, #tpu.memory_space<hbm>> -> memref<4096xf32, #tpu.memory_space<hbm>>
      tpu.enqueue_dma source(%dma_start3A_62 : memref<4096xf32, #tpu.memory_space<hbm>>) target(%arg6 : memref<4096xf32, #tpu.memory_space<vmem>>) target_semaphore(%run_scoped3A : memref<!tpu.dma_semaphore, #tpu.memory_space<semaphore_mem>>)
      %dma_wait3A = tpu.memref_slice %arg2[%mul3A_50] : memref<49152xf32, #tpu.memory_space<hbm>> -> memref<4096xf32, #tpu.memory_space<hbm>>
      %dma_wait3A_63 = tpu.memref_slice %arg2[%mul3A_50] : memref<49152xf32, #tpu.memory_space<hbm>> -> memref<4096xf32, #tpu.memory_space<hbm>>
      tpu.wait_dma2 semaphore(%run_scoped3A : memref<!tpu.dma_semaphore, #tpu.memory_space<semaphore_mem>>) src(%dma_wait3A_63 : memref<4096xf32, #tpu.memory_space<hbm>>) dst(%arg6 : memref<4096xf32, #tpu.memory_space<vmem>>)
      tpu.yield
    }) : () -> ()
    %iota3A = tpu.iota {dimensions = array<i32: 0>} : vector<16xi32>
    %broadcast_in_dim3A = arith.constant 0 : i32
    %broadcast_in_dim3A_51 = vector.broadcast %broadcast_in_dim3A : i32 to vector<16xi32>
    %scan3A = arith.constant 0 : i32
    %scan3A_52 = arith.constant 0 : i32
    %scan3A_53 = arith.constant 512 : i32
    %scan3A_54 = arith.addi %scan3A_52, %scan3A_53 : i32
    %scan3A_55 = arith.constant 1 : i32
    scf.for %scan3A_62 = %scan3A_52 to %scan3A_54 step %scan3A_55  : i32 {
      %add3A_63 = arith.addi %mul3A_32, %scan3A_62 : i32
      %broadcast_in_dim3A_64 = vector.broadcast %add3A_63 : i32 to vector<16xi32>
      %gather3A = tpu.vector_load_idx %arg4[%broadcast_in_dim3A_64] : memref<4096xf32, #tpu.memory_space<vmem>>[vector<16xi32>], vector<16xf32>,
      %gather3A_65 = tpu.vector_load_idx %arg5[%broadcast_in_dim3A_64] : memref<4096xf32, #tpu.memory_space<vmem>>[vector<16xi32>], vector<16xf32>,
      %gather3A_66 = tpu.vector_load_idx %arg6[%broadcast_in_dim3A_64] : memref<4096xf32, #tpu.memory_space<vmem>>[vector<16xi32>], vector<16xf32>,
      %get3A = arith.constant 0 : index
      %get3A_67 = tpu.vector_load %arg4[%get3A] {strides = array<i32>} : memref<4096xf32, #tpu.memory_space<vmem>>, vector<16xf32>,
      %sub3A_68 = arith.subf %get3A_67, %gather3A : vector<16xf32>
      %get3A_69 = arith.constant 0 : index
      %get3A_70 = tpu.vector_load %arg5[%get3A_69] {strides = array<i32>} : memref<4096xf32, #tpu.memory_space<vmem>>, vector<16xf32>,
      %sub3A_71 = arith.subf %get3A_70, %gather3A_65 : vector<16xf32>
      %get3A_72 = arith.constant 0 : index
      %get3A_73 = tpu.vector_load %arg6[%get3A_72] {strides = array<i32>} : memref<4096xf32, #tpu.memory_space<vmem>>, vector<16xf32>,
      %sub3A_74 = arith.subf %get3A_73, %gather3A_66 : vector<16xf32>
      %mul3A_75 = arith.mulf %sub3A_68, %sub3A_68 : vector<16xf32>
      %mul3A_76 = arith.mulf %sub3A_71, %sub3A_71 : vector<16xf32>
      %add3A_77 = arith.addf %mul3A_75, %mul3A_76 : vector<16xf32>
      %mul3A_78 = arith.mulf %sub3A_74, %sub3A_74 : vector<16xf32>
      %add3A_79 = arith.addf %add3A_77, %mul3A_78 : vector<16xf32>
      %lt3A_80 = arith.constant 4.000000e-02 : f32
      %lt3A_81 = vector.broadcast %lt3A_80 : f32 to vector<16xf32>
      %lt3A_82 = arith.cmpf olt, %add3A_79, %lt3A_81 : vector<16xf32>
      %all_reduce_population_count3A = tpu.all_reduce %lt3A_82 {dim = 0 : i64, kind = #tpu.reduction_kind<sum>} : vector<16xi1> -> vector<16xi32>
      %slice3A = vector.extract_strided_slice %all_reduce_population_count3A {offsets = [0], sizes = [1], strides = [1]} : vector<16xi32> to vector<1xi32>
      %squeeze3A = vector.extract %slice3A[0] : i32 from vector<1xi32>
      %get3A_83 = arith.constant 16 : index
      %get3A_84 = tpu.vector_load %arg4[%get3A_83] {strides = array<i32>} : memref<4096xf32, #tpu.memory_space<vmem>>, vector<16xf32>,
      %sub3A_85 = arith.subf %get3A_84, %gather3A : vector<16xf32>
      %get3A_86 = arith.constant 16 : index
      %get3A_87 = tpu.vector_load %arg5[%get3A_86] {strides = array<i32>} : memref<4096xf32, #tpu.memory_space<vmem>>, vector<16xf32>,
      %sub3A_88 = arith.subf %get3A_87, %gather3A_65 : vector<16xf32>
      %get3A_89 = arith.constant 16 : index
      %get3A_90 = tpu.vector_load %arg6[%get3A_89] {strides = array<i32>} : memref<4096xf32, #tpu.memory_space<vmem>>, vector<16xf32>,
      %sub3A_91 = arith.subf %get3A_90, %gather3A_66 : vector<16xf32>
      %mul3A_92 = arith.mulf %sub3A_85, %sub3A_85 : vector<16xf32>
      %mul3A_93 = arith.mulf %sub3A_88, %sub3A_88 : vector<16xf32>
      %add3A_94 = arith.addf %mul3A_92, %mul3A_93 : vector<16xf32>
      %mul3A_95 = arith.mulf %sub3A_91, %sub3A_91 : vector<16xf32>
      %add3A_96 = arith.addf %add3A_94, %mul3A_95 : vector<16xf32>
      %lt3A_97 = arith.constant 4.000000e-02 : f32
      %lt3A_98 = vector.broadcast %lt3A_97 : f32 to vector<16xf32>
      %lt3A_99 = arith.cmpf olt, %add3A_96, %lt3A_98 : vector<16xf32>
      %all_reduce_population_count3A_100 = tpu.all_reduce %lt3A_99 {dim = 0 : i64, kind = #tpu.reduction_kind<sum>} : vector<16xi1> -> vector<16xi32>
      %slice3A_101 = vector.extract_strided_slice %all_reduce_population_count3A_100 {offsets = [0], sizes = [1], strides = [1]} : vector<16xi32> to vector<1xi32>
      %squeeze3A_102 = vector.extract %slice3A_101[0] : i32 from vector<1xi32>
      %get3A_103 = arith.constant 32 : index
      %get3A_104 = tpu.vector_load %arg4[%get3A_103] {strides = array<i32>} : memref<4096xf32, #tpu.memory_space<vmem>>, vector<16xf32>,
      %sub3A_105 = arith.subf %get3A_104, %gather3A : vector<16xf32>
      %get3A_106 = arith.constant 32 : index
      %get3A_107 = tpu.vector_load %arg5[%get3A_106] {strides = array<i32>} : memref<4096xf32, #tpu.memory_space<vmem>>, vector<16xf32>,
      %sub3A_108 = arith.subf %get3A_107, %gather3A_65 : vector<16xf32>
      %get3A_109 = arith.constant 32 : index
      %get3A_110 = tpu.vector_load %arg6[%get3A_109] {strides = array<i32>} : memref<4096xf32, #tpu.memory_space<vmem>>, vector<16xf32>,
      %sub3A_111 = arith.subf %get3A_110, %gather3A_66 : vector<16xf32>
      %mul3A_112 = arith.mulf %sub3A_105, %sub3A_105 : vector<16xf32>
      %mul3A_113 = arith.mulf %sub3A_108, %sub3A_108 : vector<16xf32>
      %add3A_114 = arith.addf %mul3A_112, %mul3A_113 : vector<16xf32>
      %mul3A_115 = arith.mulf %sub3A_111, %sub3A_111 : vector<16xf32>
      %add3A_116 = arith.addf %add3A_114, %mul3A_115 : vector<16xf32>
      %lt3A_117 = arith.constant 4.000000e-02 : f32
      %lt3A_118 = vector.broadcast %lt3A_117 : f32 to vector<16xf32>
      %lt3A_119 = arith.cmpf olt, %add3A_116, %lt3A_118 : vector<16xf32>
      %all_reduce_population_count3A_120 = tpu.all_reduce %lt3A_119 {dim = 0 : i64, kind = #tpu.reduction_kind<sum>} : vector<16xi1> -> vector<16xi32>
      %slice3A_121 = vector.extract_strided_slice %all_reduce_population_count3A_120 {offsets = [0], sizes = [1], strides = [1]} : vector<16xi32> to vector<1xi32>
      %squeeze3A_122 = vector.extract %slice3A_121[0] : i32 from vector<1xi32>
      %get3A_123 = arith.constant 48 : index
      %get3A_124 = tpu.vector_load %arg4[%get3A_123] {strides = array<i32>} : memref<4096xf32, #tpu.memory_space<vmem>>, vector<16xf32>,
      %sub3A_125 = arith.subf %get3A_124, %gather3A : vector<16xf32>
      %get3A_126 = arith.constant 48 : index
      %get3A_127 = tpu.vector_load %arg5[%get3A_126] {strides = array<i32>} : memref<4096xf32, #tpu.memory_space<vmem>>, vector<16xf32>,
      %sub3A_128 = arith.subf %get3A_127, %gather3A_65 : vector<16xf32>
      %get3A_129 = arith.constant 48 : index
      %get3A_130 = tpu.vector_load %arg6[%get3A_129] {strides = array<i32>} : memref<4096xf32, #tpu.memory_space<vmem>>, vector<16xf32>,
      %sub3A_131 = arith.subf %get3A_130, %gather3A_66 : vector<16xf32>
      %mul3A_132 = arith.mulf %sub3A_125, %sub3A_125 : vector<16xf32>
      %mul3A_133 = arith.mulf %sub3A_128, %sub3A_128 : vector<16xf32>
      %add3A_134 = arith.addf %mul3A_132, %mul3A_133 : vector<16xf32>
      %mul3A_135 = arith.mulf %sub3A_131, %sub3A_131 : vector<16xf32>
      %add3A_136 = arith.addf %add3A_134, %mul3A_135 : vector<16xf32>
      %lt3A_137 = arith.constant 4.000000e-02 : f32
      %lt3A_138 = vector.broadcast %lt3A_137 : f32 to vector<16xf32>
      %lt3A_139 = arith.cmpf olt, %add3A_136, %lt3A_138 : vector<16xf32>
      %all_reduce_population_count3A_140 = tpu.all_reduce %lt3A_139 {dim = 0 : i64, kind = #tpu.reduction_kind<sum>} : vector<16xi1> -> vector<16xi32>
      %slice3A_141 = vector.extract_strided_slice %all_reduce_population_count3A_140 {offsets = [0], sizes = [1], strides = [1]} : vector<16xi32> to vector<1xi32>
      %squeeze3A_142 = vector.extract %slice3A_141[0] : i32 from vector<1xi32>
      %get3A_143 = arith.constant 64 : index
      %get3A_144 = tpu.vector_load %arg4[%get3A_143] {strides = array<i32>} : memref<4096xf32, #tpu.memory_space<vmem>>, vector<16xf32>,
      %sub3A_145 = arith.subf %get3A_144, %gather3A : vector<16xf32>
      %get3A_146 = arith.constant 64 : index
      %get3A_147 = tpu.vector_load %arg5[%get3A_146] {strides = array<i32>} : memref<4096xf32, #tpu.memory_space<vmem>>, vector<16xf32>,
      %sub3A_148 = arith.subf %get3A_147, %gather3A_65 : vector<16xf32>
      %get3A_149 = arith.constant 64 : index
      %get3A_150 = tpu.vector_load %arg6[%get3A_149] {strides = array<i32>} : memref<4096xf32, #tpu.memory_space<vmem>>, vector<16xf32>,
      %sub3A_151 = arith.subf %get3A_150, %gather3A_66 : vector<16xf32>
      %mul3A_152 = arith.mulf %sub3A_145, %sub3A_145 : vector<16xf32>
      %mul3A_153 = arith.mulf %sub3A_148, %sub3A_148 : vector<16xf32>
      %add3A_154 = arith.addf %mul3A_152, %mul3A_153 : vector<16xf32>
      %mul3A_155 = arith.mulf %sub3A_151, %sub3A_151 : vector<16xf32>
      %add3A_156 = arith.addf %add3A_154, %mul3A_155 : vector<16xf32>
      %lt3A_157 = arith.constant 4.000000e-02 : f32
      %lt3A_158 = vector.broadcast %lt3A_157 : f32 to vector<16xf32>
      %lt3A_159 = arith.cmpf olt, %add3A_156, %lt3A_158 : vector<16xf32>
      %all_reduce_population_count3A_160 = tpu.all_reduce %lt3A_159 {dim = 0 : i64, kind = #tpu.reduction_kind<sum>} : vector<16xi1> -> vector<16xi32>
      %slice3A_161 = vector.extract_strided_slice %all_reduce_population_count3A_160 {offsets = [0], sizes = [1], strides = [1]} : vector<16xi32> to vector<1xi32>
      %squeeze3A_162 = vector.extract %slice3A_161[0] : i32 from vector<1xi32>
      %get3A_163 = arith.constant 80 : index
      %get3A_164 = tpu.vector_load %arg4[%get3A_163] {strides = array<i32>} : memref<4096xf32, #tpu.memory_space<vmem>>, vector<16xf32>,
      %sub3A_165 = arith.subf %get3A_164, %gather3A : vector<16xf32>
      %get3A_166 = arith.constant 80 : index
      %get3A_167 = tpu.vector_load %arg5[%get3A_166] {strides = array<i32>} : memref<4096xf32, #tpu.memory_space<vmem>>, vector<16xf32>,
      %sub3A_168 = arith.subf %get3A_167, %gather3A_65 : vector<16xf32>
      %get3A_169 = arith.constant 80 : index
      %get3A_170 = tpu.vector_load %arg6[%get3A_169] {strides = array<i32>} : memref<4096xf32, #tpu.memory_space<vmem>>, vector<16xf32>,
      %sub3A_171 = arith.subf %get3A_170, %gather3A_66 : vector<16xf32>
      %mul3A_172 = arith.mulf %sub3A_165, %sub3A_165 : vector<16xf32>
      %mul3A_173 = arith.mulf %sub3A_168, %sub3A_168 : vector<16xf32>
      %add3A_174 = arith.addf %mul3A_172, %mul3A_173 : vector<16xf32>
      %mul3A_175 = arith.mulf %sub3A_171, %sub3A_171 : vector<16xf32>
      %add3A_176 = arith.addf %add3A_174, %mul3A_175 : vector<16xf32>
      %lt3A_177 = arith.constant 4.000000e-02 : f32
      %lt3A_178 = vector.broadcast %lt3A_177 : f32 to vector<16xf32>
      %lt3A_179 = arith.cmpf olt, %add3A_176, %lt3A_178 : vector<16xf32>
      %all_reduce_population_count3A_180 = tpu.all_reduce %lt3A_179 {dim = 0 : i64, kind = #tpu.reduction_kind<sum>} : vector<16xi1> -> vector<16xi32>
      %slice3A_181 = vector.extract_strided_slice %all_reduce_population_count3A_180 {offsets = [0], sizes = [1], strides = [1]} : vector<16xi32> to vector<1xi32>
      %squeeze3A_182 = vector.extract %slice3A_181[0] : i32 from vector<1xi32>
      %get3A_183 = arith.constant 96 : index
      %get3A_184 = tpu.vector_load %arg4[%get3A_183] {strides = array<i32>} : memref<4096xf32, #tpu.memory_space<vmem>>, vector<16xf32>,
      %sub3A_185 = arith.subf %get3A_184, %gather3A : vector<16xf32>
      %get3A_186 = arith.constant 96 : index
      %get3A_187 = tpu.vector_load %arg5[%get3A_186] {strides = array<i32>} : memref<4096xf32, #tpu.memory_space<vmem>>, vector<16xf32>,
      %sub3A_188 = arith.subf %get3A_187, %gather3A_65 : vector<16xf32>
      %get3A_189 = arith.constant 96 : index
      %get3A_190 = tpu.vector_load %arg6[%get3A_189] {strides = array<i32>} : memref<4096xf32, #tpu.memory_space<vmem>>, vector<16xf32>,
      %sub3A_191 = arith.subf %get3A_190, %gather3A_66 : vector<16xf32>
      %mul3A_192 = arith.mulf %sub3A_185, %sub3A_185 : vector<16xf32>
      %mul3A_193 = arith.mulf %sub3A_188, %sub3A_188 : vector<16xf32>
      %add3A_194 = arith.addf %mul3A_192, %mul3A_193 : vector<16xf32>
      %mul3A_195 = arith.mulf %sub3A_191, %sub3A_191 : vector<16xf32>
      %add3A_196 = arith.addf %add3A_194, %mul3A_195 : vector<16xf32>
      %lt3A_197 = arith.constant 4.000000e-02 : f32
      %lt3A_198 = vector.broadcast %lt3A_197 : f32 to vector<16xf32>
      %lt3A_199 = arith.cmpf olt, %add3A_196, %lt3A_198 : vector<16xf32>
      %all_reduce_population_count3A_200 = tpu.all_reduce %lt3A_199 {dim = 0 : i64, kind = #tpu.reduction_kind<sum>} : vector<16xi1> -> vector<16xi32>
      %slice3A_201 = vector.extract_strided_slice %all_reduce_population_count3A_200 {offsets = [0], sizes = [1], strides = [1]} : vector<16xi32> to vector<1xi32>
      %squeeze3A_202 = vector.extract %slice3A_201[0] : i32 from vector<1xi32>
      %get3A_203 = arith.constant 112 : index
      %get3A_204 = tpu.vector_load %arg4[%get3A_203] {strides = array<i32>} : memref<4096xf32, #tpu.memory_space<vmem>>, vector<16xf32>,
      %sub3A_205 = arith.subf %get3A_204, %gather3A : vector<16xf32>
      %get3A_206 = arith.constant 112 : index
      %get3A_207 = tpu.vector_load %arg5[%get3A_206] {strides = array<i32>} : memref<4096xf32, #tpu.memory_space<vmem>>, vector<16xf32>,
      %sub3A_208 = arith.subf %get3A_207, %gather3A_65 : vector<16xf32>
      %get3A_209 = arith.constant 112 : index
      %get3A_210 = tpu.vector_load %arg6[%get3A_209] {strides = array<i32>} : memref<4096xf32, #tpu.memory_space<vmem>>, vector<16xf32>,
      %sub3A_211 = arith.subf %get3A_210, %gather3A_66 : vector<16xf32>
      %mul3A_212 = arith.mulf %sub3A_205, %sub3A_205 : vector<16xf32>
      %mul3A_213 = arith.mulf %sub3A_208, %sub3A_208 : vector<16xf32>
      %add3A_214 = arith.addf %mul3A_212, %mul3A_213 : vector<16xf32>
      %mul3A_215 = arith.mulf %sub3A_211, %sub3A_211 : vector<16xf32>
      %add3A_216 = arith.addf %add3A_214, %mul3A_215 : vector<16xf32>
      %lt3A_217 = arith.constant 4.000000e-02 : f32
      %lt3A_218 = vector.broadcast %lt3A_217 : f32 to vector<16xf32>
      %lt3A_219 = arith.cmpf olt, %add3A_216, %lt3A_218 : vector<16xf32>
      %all_reduce_population_count3A_220 = tpu.all_reduce %lt3A_219 {dim = 0 : i64, kind = #tpu.reduction_kind<sum>} : vector<16xi1> -> vector<16xi32>
      %slice3A_221 = vector.extract_strided_slice %all_reduce_population_count3A_220 {offsets = [0], sizes = [1], strides = [1]} : vector<16xi32> to vector<1xi32>
      %squeeze3A_222 = vector.extract %slice3A_221[0] : i32 from vector<1xi32>
      %get3A_223 = arith.constant 128 : index
      %get3A_224 = tpu.vector_load %arg4[%get3A_223] {strides = array<i32>} : memref<4096xf32, #tpu.memory_space<vmem>>, vector<16xf32>,
      %sub3A_225 = arith.subf %get3A_224, %gather3A : vector<16xf32>
      %get3A_226 = arith.constant 128 : index
      %get3A_227 = tpu.vector_load %arg5[%get3A_226] {strides = array<i32>} : memref<4096xf32, #tpu.memory_space<vmem>>, vector<16xf32>,
      %sub3A_228 = arith.subf %get3A_227, %gather3A_65 : vector<16xf32>
      %get3A_229 = arith.constant 128 : index
      %get3A_230 = tpu.vector_load %arg6[%get3A_229] {strides = array<i32>} : memref<4096xf32, #tpu.memory_space<vmem>>, vector<16xf32>,
      %sub3A_231 = arith.subf %get3A_230, %gather3A_66 : vector<16xf32>
      %mul3A_232 = arith.mulf %sub3A_225, %sub3A_225 : vector<16xf32>
      %mul3A_233 = arith.mulf %sub3A_228, %sub3A_228 : vector<16xf32>
      %add3A_234 = arith.addf %mul3A_232, %mul3A_233 : vector<16xf32>
      %mul3A_235 = arith.mulf %sub3A_231, %sub3A_231 : vector<16xf32>
      %add3A_236 = arith.addf %add3A_234, %mul3A_235 : vector<16xf32>
      %lt3A_237 = arith.constant 4.000000e-02 : f32
      %lt3A_238 = vector.broadcast %lt3A_237 : f32 to vector<16xf32>
      %lt3A_239 = arith.cmpf olt, %add3A_236, %lt3A_238 : vector<16xf32>
      %all_reduce_population_count3A_240 = tpu.all_reduce %lt3A_239 {dim = 0 : i64, kind = #tpu.reduction_kind<sum>} : vector<16xi1> -> vector<16xi32>
      %slice3A_241 = vector.extract_strided_slice %all_reduce_population_count3A_240 {offsets = [0], sizes = [1], strides = [1]} : vector<16xi32> to vector<1xi32>
      %squeeze3A_242 = vector.extract %slice3A_241[0] : i32 from vector<1xi32>
      %get3A_243 = arith.constant 144 : index
      %get3A_244 = tpu.vector_load %arg4[%get3A_243] {strides = array<i32>} : memref<4096xf32, #tpu.memory_space<vmem>>, vector<16xf32>,
      %sub3A_245 = arith.subf %get3A_244, %gather3A : vector<16xf32>
      %get3A_246 = arith.constant 144 : index
      %get3A_247 = tpu.vector_load %arg5[%get3A_246] {strides = array<i32>} : memref<4096xf32, #tpu.memory_space<vmem>>, vector<16xf32>,
      %sub3A_248 = arith.subf %get3A_247, %gather3A_65 : vector<16xf32>
      %get3A_249 = arith.constant 144 : index
      %get3A_250 = tpu.vector_load %arg6[%get3A_249] {strides = array<i32>} : memref<4096xf32, #tpu.memory_space<vmem>>, vector<16xf32>,
      %sub3A_251 = arith.subf %get3A_250, %gather3A_66 : vector<16xf32>
      %mul3A_252 = arith.mulf %sub3A_245, %sub3A_245 : vector<16xf32>
      %mul3A_253 = arith.mulf %sub3A_248, %sub3A_248 : vector<16xf32>
      %add3A_254 = arith.addf %mul3A_252, %mul3A_253 : vector<16xf32>
      %mul3A_255 = arith.mulf %sub3A_251, %sub3A_251 : vector<16xf32>
      %add3A_256 = arith.addf %add3A_254, %mul3A_255 : vector<16xf32>
      %lt3A_257 = arith.constant 4.000000e-02 : f32
      %lt3A_258 = vector.broadcast %lt3A_257 : f32 to vector<16xf32>
      %lt3A_259 = arith.cmpf olt, %add3A_256, %lt3A_258 : vector<16xf32>
      %all_reduce_population_count3A_260 = tpu.all_reduce %lt3A_259 {dim = 0 : i64, kind = #tpu.reduction_kind<sum>} : vector<16xi1> -> vector<16xi32>
      %slice3A_261 = vector.extract_strided_slice %all_reduce_population_count3A_260 {offsets = [0], sizes = [1], strides = [1]} : vector<16xi32> to vector<1xi32>
      %squeeze3A_262 = vector.extract %slice3A_261[0] : i32 from vector<1xi32>
      %get3A_263 = arith.constant 160 : index
      %get3A_264 = tpu.vector_load %arg4[%get3A_263] {strides = array<i32>} : memref<4096xf32, #tpu.memory_space<vmem>>, vector<16xf32>,
      %sub3A_265 = arith.subf %get3A_264, %gather3A : vector<16xf32>
      %get3A_266 = arith.constant 160 : index
      %get3A_267 = tpu.vector_load %arg5[%get3A_266] {strides = array<i32>} : memref<4096xf32, #tpu.memory_space<vmem>>, vector<16xf32>,
      %sub3A_268 = arith.subf %get3A_267, %gather3A_65 : vector<16xf32>
      %get3A_269 = arith.constant 160 : index
      %get3A_270 = tpu.vector_load %arg6[%get3A_269] {strides = array<i32>} : memref<4096xf32, #tpu.memory_space<vmem>>, vector<16xf32>,
      %sub3A_271 = arith.subf %get3A_270, %gather3A_66 : vector<16xf32>
      %mul3A_272 = arith.mulf %sub3A_265, %sub3A_265 : vector<16xf32>
      %mul3A_273 = arith.mulf %sub3A_268, %sub3A_268 : vector<16xf32>
      %add3A_274 = arith.addf %mul3A_272, %mul3A_273 : vector<16xf32>
      %mul3A_275 = arith.mulf %sub3A_271, %sub3A_271 : vector<16xf32>
      %add3A_276 = arith.addf %add3A_274, %mul3A_275 : vector<16xf32>
      %lt3A_277 = arith.constant 4.000000e-02 : f32
      %lt3A_278 = vector.broadcast %lt3A_277 : f32 to vector<16xf32>
      %lt3A_279 = arith.cmpf olt, %add3A_276, %lt3A_278 : vector<16xf32>
      %all_reduce_population_count3A_280 = tpu.all_reduce %lt3A_279 {dim = 0 : i64, kind = #tpu.reduction_kind<sum>} : vector<16xi1> -> vector<16xi32>
      %slice3A_281 = vector.extract_strided_slice %all_reduce_population_count3A_280 {offsets = [0], sizes = [1], strides = [1]} : vector<16xi32> to vector<1xi32>
      %squeeze3A_282 = vector.extract %slice3A_281[0] : i32 from vector<1xi32>
      %get3A_283 = arith.constant 176 : index
      %get3A_284 = tpu.vector_load %arg4[%get3A_283] {strides = array<i32>} : memref<4096xf32, #tpu.memory_space<vmem>>, vector<16xf32>,
      %sub3A_285 = arith.subf %get3A_284, %gather3A : vector<16xf32>
      %get3A_286 = arith.constant 176 : index
      %get3A_287 = tpu.vector_load %arg5[%get3A_286] {strides = array<i32>} : memref<4096xf32, #tpu.memory_space<vmem>>, vector<16xf32>,
      %sub3A_288 = arith.subf %get3A_287, %gather3A_65 : vector<16xf32>
      %get3A_289 = arith.constant 176 : index
      %get3A_290 = tpu.vector_load %arg6[%get3A_289] {strides = array<i32>} : memref<4096xf32, #tpu.memory_space<vmem>>, vector<16xf32>,
      %sub3A_291 = arith.subf %get3A_290, %gather3A_66 : vector<16xf32>
      %mul3A_292 = arith.mulf %sub3A_285, %sub3A_285 : vector<16xf32>
      %mul3A_293 = arith.mulf %sub3A_288, %sub3A_288 : vector<16xf32>
      %add3A_294 = arith.addf %mul3A_292, %mul3A_293 : vector<16xf32>
      %mul3A_295 = arith.mulf %sub3A_291, %sub3A_291 : vector<16xf32>
      %add3A_296 = arith.addf %add3A_294, %mul3A_295 : vector<16xf32>
      %lt3A_297 = arith.constant 4.000000e-02 : f32
      %lt3A_298 = vector.broadcast %lt3A_297 : f32 to vector<16xf32>
      %lt3A_299 = arith.cmpf olt, %add3A_296, %lt3A_298 : vector<16xf32>
      %all_reduce_population_count3A_300 = tpu.all_reduce %lt3A_299 {dim = 0 : i64, kind = #tpu.reduction_kind<sum>} : vector<16xi1> -> vector<16xi32>
      %slice3A_301 = vector.extract_strided_slice %all_reduce_population_count3A_300 {offsets = [0], sizes = [1], strides = [1]} : vector<16xi32> to vector<1xi32>
      %squeeze3A_302 = vector.extract %slice3A_301[0] : i32 from vector<1xi32>
      %get3A_303 = arith.constant 192 : index
      %get3A_304 = tpu.vector_load %arg4[%get3A_303] {strides = array<i32>} : memref<4096xf32, #tpu.memory_space<vmem>>, vector<16xf32>,
      %sub3A_305 = arith.subf %get3A_304, %gather3A : vector<16xf32>
      %get3A_306 = arith.constant 192 : index
      %get3A_307 = tpu.vector_load %arg5[%get3A_306] {strides = array<i32>} : memref<4096xf32, #tpu.memory_space<vmem>>, vector<16xf32>,
      %sub3A_308 = arith.subf %get3A_307, %gather3A_65 : vector<16xf32>
      %get3A_309 = arith.constant 192 : index
      %get3A_310 = tpu.vector_load %arg6[%get3A_309] {strides = array<i32>} : memref<4096xf32, #tpu.memory_space<vmem>>, vector<16xf32>,
      %sub3A_311 = arith.subf %get3A_310, %gather3A_66 : vector<16xf32>
      %mul3A_312 = arith.mulf %sub3A_305, %sub3A_305 : vector<16xf32>
      %mul3A_313 = arith.mulf %sub3A_308, %sub3A_308 : vector<16xf32>
      %add3A_314 = arith.addf %mul3A_312, %mul3A_313 : vector<16xf32>
      %mul3A_315 = arith.mulf %sub3A_311, %sub3A_311 : vector<16xf32>
      %add3A_316 = arith.addf %add3A_314, %mul3A_315 : vector<16xf32>
      %lt3A_317 = arith.constant 4.000000e-02 : f32
      %lt3A_318 = vector.broadcast %lt3A_317 : f32 to vector<16xf32>
      %lt3A_319 = arith.cmpf olt, %add3A_316, %lt3A_318 : vector<16xf32>
      %all_reduce_population_count3A_320 = tpu.all_reduce %lt3A_319 {dim = 0 : i64, kind = #tpu.reduction_kind<sum>} : vector<16xi1> -> vector<16xi32>
      %slice3A_321 = vector.extract_strided_slice %all_reduce_population_count3A_320 {offsets = [0], sizes = [1], strides = [1]} : vector<16xi32> to vector<1xi32>
      %squeeze3A_322 = vector.extract %slice3A_321[0] : i32 from vector<1xi32>
      %get3A_323 = arith.constant 208 : index
      %get3A_324 = tpu.vector_load %arg4[%get3A_323] {strides = array<i32>} : memref<4096xf32, #tpu.memory_space<vmem>>, vector<16xf32>,
      %sub3A_325 = arith.subf %get3A_324, %gather3A : vector<16xf32>
      %get3A_326 = arith.constant 208 : index
      %get3A_327 = tpu.vector_load %arg5[%get3A_326] {strides = array<i32>} : memref<4096xf32, #tpu.memory_space<vmem>>, vector<16xf32>,
      %sub3A_328 = arith.subf %get3A_327, %gather3A_65 : vector<16xf32>
      %get3A_329 = arith.constant 208 : index
      %get3A_330 = tpu.vector_load %arg6[%get3A_329] {strides = array<i32>} : memref<4096xf32, #tpu.memory_space<vmem>>, vector<16xf32>,
      %sub3A_331 = arith.subf %get3A_330, %gather3A_66 : vector<16xf32>
      %mul3A_332 = arith.mulf %sub3A_325, %sub3A_325 : vector<16xf32>
      %mul3A_333 = arith.mulf %sub3A_328, %sub3A_328 : vector<16xf32>
      %add3A_334 = arith.addf %mul3A_332, %mul3A_333 : vector<16xf32>
      %mul3A_335 = arith.mulf %sub3A_331, %sub3A_331 : vector<16xf32>
      %add3A_336 = arith.addf %add3A_334, %mul3A_335 : vector<16xf32>
      %lt3A_337 = arith.constant 4.000000e-02 : f32
      %lt3A_338 = vector.broadcast %lt3A_337 : f32 to vector<16xf32>
      %lt3A_339 = arith.cmpf olt, %add3A_336, %lt3A_338 : vector<16xf32>
      %all_reduce_population_count3A_340 = tpu.all_reduce %lt3A_339 {dim = 0 : i64, kind = #tpu.reduction_kind<sum>} : vector<16xi1> -> vector<16xi32>
      %slice3A_341 = vector.extract_strided_slice %all_reduce_population_count3A_340 {offsets = [0], sizes = [1], strides = [1]} : vector<16xi32> to vector<1xi32>
      %squeeze3A_342 = vector.extract %slice3A_341[0] : i32 from vector<1xi32>
      %get3A_343 = arith.constant 224 : index
      %get3A_344 = tpu.vector_load %arg4[%get3A_343] {strides = array<i32>} : memref<4096xf32, #tpu.memory_space<vmem>>, vector<16xf32>,
      %sub3A_345 = arith.subf %get3A_344, %gather3A : vector<16xf32>
      %get3A_346 = arith.constant 224 : index
      %get3A_347 = tpu.vector_load %arg5[%get3A_346] {strides = array<i32>} : memref<4096xf32, #tpu.memory_space<vmem>>, vector<16xf32>,
      %sub3A_348 = arith.subf %get3A_347, %gather3A_65 : vector<16xf32>
      %get3A_349 = arith.constant 224 : index
      %get3A_350 = tpu.vector_load %arg6[%get3A_349] {strides = array<i32>} : memref<4096xf32, #tpu.memory_space<vmem>>, vector<16xf32>,
      %sub3A_351 = arith.subf %get3A_350, %gather3A_66 : vector<16xf32>
      %mul3A_352 = arith.mulf %sub3A_345, %sub3A_345 : vector<16xf32>
      %mul3A_353 = arith.mulf %sub3A_348, %sub3A_348 : vector<16xf32>
      %add3A_354 = arith.addf %mul3A_352, %mul3A_353 : vector<16xf32>
      %mul3A_355 = arith.mulf %sub3A_351, %sub3A_351 : vector<16xf32>
      %add3A_356 = arith.addf %add3A_354, %mul3A_355 : vector<16xf32>
      %lt3A_357 = arith.constant 4.000000e-02 : f32
      %lt3A_358 = vector.broadcast %lt3A_357 : f32 to vector<16xf32>
      %lt3A_359 = arith.cmpf olt, %add3A_356, %lt3A_358 : vector<16xf32>
      %all_reduce_population_count3A_360 = tpu.all_reduce %lt3A_359 {dim = 0 : i64, kind = #tpu.reduction_kind<sum>} : vector<16xi1> -> vector<16xi32>
      %slice3A_361 = vector.extract_strided_slice %all_reduce_population_count3A_360 {offsets = [0], sizes = [1], strides = [1]} : vector<16xi32> to vector<1xi32>
      %squeeze3A_362 = vector.extract %slice3A_361[0] : i32 from vector<1xi32>
      %get3A_363 = arith.constant 240 : index
      %get3A_364 = tpu.vector_load %arg4[%get3A_363] {strides = array<i32>} : memref<4096xf32, #tpu.memory_space<vmem>>, vector<16xf32>,
      %sub3A_365 = arith.subf %get3A_364, %gather3A : vector<16xf32>
      %get3A_366 = arith.constant 240 : index
      %get3A_367 = tpu.vector_load %arg5[%get3A_366] {strides = array<i32>} : memref<4096xf32, #tpu.memory_space<vmem>>, vector<16xf32>,
      %sub3A_368 = arith.subf %get3A_367, %gather3A_65 : vector<16xf32>
      %get3A_369 = arith.constant 240 : index
      %get3A_370 = tpu.vector_load %arg6[%get3A_369] {strides = array<i32>} : memref<4096xf32, #tpu.memory_space<vmem>>, vector<16xf32>,
      %sub3A_371 = arith.subf %get3A_370, %gather3A_66 : vector<16xf32>
      %mul3A_372 = arith.mulf %sub3A_365, %sub3A_365 : vector<16xf32>
      %mul3A_373 = arith.mulf %sub3A_368, %sub3A_368 : vector<16xf32>
      %add3A_374 = arith.addf %mul3A_372, %mul3A_373 : vector<16xf32>
      %mul3A_375 = arith.mulf %sub3A_371, %sub3A_371 : vector<16xf32>
      %add3A_376 = arith.addf %add3A_374, %mul3A_375 : vector<16xf32>
      %lt3A_377 = arith.constant 4.000000e-02 : f32
      %lt3A_378 = vector.broadcast %lt3A_377 : f32 to vector<16xf32>
      %lt3A_379 = arith.cmpf olt, %add3A_376, %lt3A_378 : vector<16xf32>
      %all_reduce_population_count3A_380 = tpu.all_reduce %lt3A_379 {dim = 0 : i64, kind = #tpu.reduction_kind<sum>} : vector<16xi1> -> vector<16xi32>
      %slice3A_381 = vector.extract_strided_slice %all_reduce_population_count3A_380 {offsets = [0], sizes = [1], strides = [1]} : vector<16xi32> to vector<1xi32>
      %squeeze3A_382 = vector.extract %slice3A_381[0] : i32 from vector<1xi32>
      %add3A_383 = arith.constant 0 : i32
      %add3A_384 = vector.broadcast %add3A_383 : i32 to vector<16xi32>
      %add3A_385 = arith.addi %iota3A, %add3A_384 : vector<16xi32>
      %swap3A = arith.constant 0 : i32
      %swap3A_386 = arith.index_cast %swap3A : i32 to index
      %swap3A_387 = tpu.vector_load %arg7[%swap3A_386] masked %lt3A_82 {strides = array<i32>} : memref<1024xi32, #tpu.memory_space<vmem>>, vector<16xi32>, vector<16xi1>
      tpu.vector_store %arg7[%swap3A_386], %add3A_385 masked %lt3A_82 {strides = array<i32>} : memref<1024xi32, #tpu.memory_space<vmem>>, vector<16xi32>, vector<16xi1>
      %add3A_388 = arith.constant 0 : i32
      %add3A_389 = arith.addi %add3A_388, %squeeze3A : i32
      %add3A_390 = arith.constant 16 : i32
      %add3A_391 = vector.broadcast %add3A_390 : i32 to vector<16xi32>
      %add3A_392 = arith.addi %iota3A, %add3A_391 : vector<16xi32>
      %swap3A_393 = arith.index_cast %add3A_389 : i32 to index
      %swap3A_394 = tpu.vector_load %arg7[%swap3A_393] masked %lt3A_99 {strides = array<i32>} : memref<1024xi32, #tpu.memory_space<vmem>>, vector<16xi32>, vector<16xi1>
      tpu.vector_store %arg7[%swap3A_393], %add3A_392 masked %lt3A_99 {strides = array<i32>} : memref<1024xi32, #tpu.memory_space<vmem>>, vector<16xi32>, vector<16xi1>
      %add3A_395 = arith.addi %add3A_389, %squeeze3A_102 : i32
      %add3A_396 = arith.constant 32 : i32
      %add3A_397 = vector.broadcast %add3A_396 : i32 to vector<16xi32>
      %add3A_398 = arith.addi %iota3A, %add3A_397 : vector<16xi32>
      %swap3A_399 = arith.index_cast %add3A_395 : i32 to index
      %swap3A_400 = tpu.vector_load %arg7[%swap3A_399] masked %lt3A_119 {strides = array<i32>} : memref<1024xi32, #tpu.memory_space<vmem>>, vector<16xi32>, vector<16xi1>
      tpu.vector_store %arg7[%swap3A_399], %add3A_398 masked %lt3A_119 {strides = array<i32>} : memref<1024xi32, #tpu.memory_space<vmem>>, vector<16xi32>, vector<16xi1>
      %add3A_401 = arith.addi %add3A_395, %squeeze3A_122 : i32
      %add3A_402 = arith.constant 48 : i32
      %add3A_403 = vector.broadcast %add3A_402 : i32 to vector<16xi32>
      %add3A_404 = arith.addi %iota3A, %add3A_403 : vector<16xi32>
      %swap3A_405 = arith.index_cast %add3A_401 : i32 to index
      %swap3A_406 = tpu.vector_load %arg7[%swap3A_405] masked %lt3A_139 {strides = array<i32>} : memref<1024xi32, #tpu.memory_space<vmem>>, vector<16xi32>, vector<16xi1>
      tpu.vector_store %arg7[%swap3A_405], %add3A_404 masked %lt3A_139 {strides = array<i32>} : memref<1024xi32, #tpu.memory_space<vmem>>, vector<16xi32>, vector<16xi1>
      %add3A_407 = arith.addi %add3A_401, %squeeze3A_142 : i32
      %add3A_408 = arith.constant 64 : i32
      %add3A_409 = vector.broadcast %add3A_408 : i32 to vector<16xi32>
      %add3A_410 = arith.addi %iota3A, %add3A_409 : vector<16xi32>
      %swap3A_411 = arith.index_cast %add3A_407 : i32 to index
      %swap3A_412 = tpu.vector_load %arg7[%swap3A_411] masked %lt3A_159 {strides = array<i32>} : memref<1024xi32, #tpu.memory_space<vmem>>, vector<16xi32>, vector<16xi1>
      tpu.vector_store %arg7[%swap3A_411], %add3A_410 masked %lt3A_159 {strides = array<i32>} : memref<1024xi32, #tpu.memory_space<vmem>>, vector<16xi32>, vector<16xi1>
      %add3A_413 = arith.addi %add3A_407, %squeeze3A_162 : i32
      %add3A_414 = arith.constant 80 : i32
      %add3A_415 = vector.broadcast %add3A_414 : i32 to vector<16xi32>
      %add3A_416 = arith.addi %iota3A, %add3A_415 : vector<16xi32>
      %swap3A_417 = arith.index_cast %add3A_413 : i32 to index
      %swap3A_418 = tpu.vector_load %arg7[%swap3A_417] masked %lt3A_179 {strides = array<i32>} : memref<1024xi32, #tpu.memory_space<vmem>>, vector<16xi32>, vector<16xi1>
      tpu.vector_store %arg7[%swap3A_417], %add3A_416 masked %lt3A_179 {strides = array<i32>} : memref<1024xi32, #tpu.memory_space<vmem>>, vector<16xi32>, vector<16xi1>
      %add3A_419 = arith.addi %add3A_413, %squeeze3A_182 : i32
      %add3A_420 = arith.constant 96 : i32
      %add3A_421 = vector.broadcast %add3A_420 : i32 to vector<16xi32>
      %add3A_422 = arith.addi %iota3A, %add3A_421 : vector<16xi32>
      %swap3A_423 = arith.index_cast %add3A_419 : i32 to index
      %swap3A_424 = tpu.vector_load %arg7[%swap3A_423] masked %lt3A_199 {strides = array<i32>} : memref<1024xi32, #tpu.memory_space<vmem>>, vector<16xi32>, vector<16xi1>
      tpu.vector_store %arg7[%swap3A_423], %add3A_422 masked %lt3A_199 {strides = array<i32>} : memref<1024xi32, #tpu.memory_space<vmem>>, vector<16xi32>, vector<16xi1>
      %add3A_425 = arith.addi %add3A_419, %squeeze3A_202 : i32
      %add3A_426 = arith.constant 112 : i32
      %add3A_427 = vector.broadcast %add3A_426 : i32 to vector<16xi32>
      %add3A_428 = arith.addi %iota3A, %add3A_427 : vector<16xi32>
      %swap3A_429 = arith.index_cast %add3A_425 : i32 to index
      %swap3A_430 = tpu.vector_load %arg7[%swap3A_429] masked %lt3A_219 {strides = array<i32>} : memref<1024xi32, #tpu.memory_space<vmem>>, vector<16xi32>, vector<16xi1>
      tpu.vector_store %arg7[%swap3A_429], %add3A_428 masked %lt3A_219 {strides = array<i32>} : memref<1024xi32, #tpu.memory_space<vmem>>, vector<16xi32>, vector<16xi1>
      %add3A_431 = arith.addi %add3A_425, %squeeze3A_222 : i32
      %add3A_432 = arith.constant 128 : i32
      %add3A_433 = vector.broadcast %add3A_432 : i32 to vector<16xi32>
      %add3A_434 = arith.addi %iota3A, %add3A_433 : vector<16xi32>
      %swap3A_435 = arith.index_cast %add3A_431 : i32 to index
      %swap3A_436 = tpu.vector_load %arg7[%swap3A_435] masked %lt3A_239 {strides = array<i32>} : memref<1024xi32, #tpu.memory_space<vmem>>, vector<16xi32>, vector<16xi1>
      tpu.vector_store %arg7[%swap3A_435], %add3A_434 masked %lt3A_239 {strides = array<i32>} : memref<1024xi32, #tpu.memory_space<vmem>>, vector<16xi32>, vector<16xi1>
      %add3A_437 = arith.addi %add3A_431, %squeeze3A_242 : i32
      %add3A_438 = arith.constant 144 : i32
      %add3A_439 = vector.broadcast %add3A_438 : i32 to vector<16xi32>
      %add3A_440 = arith.addi %iota3A, %add3A_439 : vector<16xi32>
      %swap3A_441 = arith.index_cast %add3A_437 : i32 to index
      %swap3A_442 = tpu.vector_load %arg7[%swap3A_441] masked %lt3A_259 {strides = array<i32>} : memref<1024xi32, #tpu.memory_space<vmem>>, vector<16xi32>, vector<16xi1>
      tpu.vector_store %arg7[%swap3A_441], %add3A_440 masked %lt3A_259 {strides = array<i32>} : memref<1024xi32, #tpu.memory_space<vmem>>, vector<16xi32>, vector<16xi1>
      %add3A_443 = arith.addi %add3A_437, %squeeze3A_262 : i32
      %add3A_444 = arith.constant 160 : i32
      %add3A_445 = vector.broadcast %add3A_444 : i32 to vector<16xi32>
      %add3A_446 = arith.addi %iota3A, %add3A_445 : vector<16xi32>
      %swap3A_447 = arith.index_cast %add3A_443 : i32 to index
      %swap3A_448 = tpu.vector_load %arg7[%swap3A_447] masked %lt3A_279 {strides = array<i32>} : memref<1024xi32, #tpu.memory_space<vmem>>, vector<16xi32>, vector<16xi1>
      tpu.vector_store %arg7[%swap3A_447], %add3A_446 masked %lt3A_279 {strides = array<i32>} : memref<1024xi32, #tpu.memory_space<vmem>>, vector<16xi32>, vector<16xi1>
      %add3A_449 = arith.addi %add3A_443, %squeeze3A_282 : i32
      %add3A_450 = arith.constant 176 : i32
      %add3A_451 = vector.broadcast %add3A_450 : i32 to vector<16xi32>
      %add3A_452 = arith.addi %iota3A, %add3A_451 : vector<16xi32>
      %swap3A_453 = arith.index_cast %add3A_449 : i32 to index
      %swap3A_454 = tpu.vector_load %arg7[%swap3A_453] masked %lt3A_299 {strides = array<i32>} : memref<1024xi32, #tpu.memory_space<vmem>>, vector<16xi32>, vector<16xi1>
      tpu.vector_store %arg7[%swap3A_453], %add3A_452 masked %lt3A_299 {strides = array<i32>} : memref<1024xi32, #tpu.memory_space<vmem>>, vector<16xi32>, vector<16xi1>
      %add3A_455 = arith.addi %add3A_449, %squeeze3A_302 : i32
      %add3A_456 = arith.constant 192 : i32
      %add3A_457 = vector.broadcast %add3A_456 : i32 to vector<16xi32>
      %add3A_458 = arith.addi %iota3A, %add3A_457 : vector<16xi32>
      %swap3A_459 = arith.index_cast %add3A_455 : i32 to index
      %swap3A_460 = tpu.vector_load %arg7[%swap3A_459] masked %lt3A_319 {strides = array<i32>} : memref<1024xi32, #tpu.memory_space<vmem>>, vector<16xi32>, vector<16xi1>
      tpu.vector_store %arg7[%swap3A_459], %add3A_458 masked %lt3A_319 {strides = array<i32>} : memref<1024xi32, #tpu.memory_space<vmem>>, vector<16xi32>, vector<16xi1>
      %add3A_461 = arith.addi %add3A_455, %squeeze3A_322 : i32
      %add3A_462 = arith.constant 208 : i32
      %add3A_463 = vector.broadcast %add3A_462 : i32 to vector<16xi32>
      %add3A_464 = arith.addi %iota3A, %add3A_463 : vector<16xi32>
      %swap3A_465 = arith.index_cast %add3A_461 : i32 to index
      %swap3A_466 = tpu.vector_load %arg7[%swap3A_465] masked %lt3A_339 {strides = array<i32>} : memref<1024xi32, #tpu.memory_space<vmem>>, vector<16xi32>, vector<16xi1>
      tpu.vector_store %arg7[%swap3A_465], %add3A_464 masked %lt3A_339 {strides = array<i32>} : memref<1024xi32, #tpu.memory_space<vmem>>, vector<16xi32>, vector<16xi1>
      %add3A_467 = arith.addi %add3A_461, %squeeze3A_342 : i32
      %add3A_468 = arith.constant 224 : i32
      %add3A_469 = vector.broadcast %add3A_468 : i32 to vector<16xi32>
      %add3A_470 = arith.addi %iota3A, %add3A_469 : vector<16xi32>
      %swap3A_471 = arith.index_cast %add3A_467 : i32 to index
      %swap3A_472 = tpu.vector_load %arg7[%swap3A_471] masked %lt3A_359 {strides = array<i32>} : memref<1024xi32, #tpu.memory_space<vmem>>, vector<16xi32>, vector<16xi1>
      tpu.vector_store %arg7[%swap3A_471], %add3A_470 masked %lt3A_359 {strides = array<i32>} : memref<1024xi32, #tpu.memory_space<vmem>>, vector<16xi32>, vector<16xi1>
      %add3A_473 = arith.addi %add3A_467, %squeeze3A_362 : i32
      %add3A_474 = arith.constant 240 : i32
      %add3A_475 = vector.broadcast %add3A_474 : i32 to vector<16xi32>
      %add3A_476 = arith.addi %iota3A, %add3A_475 : vector<16xi32>
      %swap3A_477 = arith.index_cast %add3A_473 : i32 to index
      %swap3A_478 = tpu.vector_load %arg7[%swap3A_477] masked %lt3A_379 {strides = array<i32>} : memref<1024xi32, #tpu.memory_space<vmem>>, vector<16xi32>, vector<16xi1>
      tpu.vector_store %arg7[%swap3A_477], %add3A_476 masked %lt3A_379 {strides = array<i32>} : memref<1024xi32, #tpu.memory_space<vmem>>, vector<16xi32>, vector<16xi1>
      %add3A_479 = arith.addi %add3A_473, %squeeze3A_382 : i32
      %get3A_480 = arith.constant 256 : index
      %get3A_481 = tpu.vector_load %arg4[%get3A_480] {strides = array<i32>} : memref<4096xf32, #tpu.memory_space<vmem>>, vector<16xf32>,
      %sub3A_482 = arith.subf %get3A_481, %gather3A : vector<16xf32>
      %get3A_483 = arith.constant 256 : index
      %get3A_484 = tpu.vector_load %arg5[%get3A_483] {strides = array<i32>} : memref<4096xf32, #tpu.memory_space<vmem>>, vector<16xf32>,
      %sub3A_485 = arith.subf %get3A_484, %gather3A_65 : vector<16xf32>
      %get3A_486 = arith.constant 256 : index
      %get3A_487 = tpu.vector_load %arg6[%get3A_486] {strides = array<i32>} : memref<4096xf32, #tpu.memory_space<vmem>>, vector<16xf32>,
      %sub3A_488 = arith.subf %get3A_487, %gather3A_66 : vector<16xf32>
      %mul3A_489 = arith.mulf %sub3A_482, %sub3A_482 : vector<16xf32>
      %mul3A_490 = arith.mulf %sub3A_485, %sub3A_485 : vector<16xf32>
      %add3A_491 = arith.addf %mul3A_489, %mul3A_490 : vector<16xf32>
      %mul3A_492 = arith.mulf %sub3A_488, %sub3A_488 : vector<16xf32>
      %add3A_493 = arith.addf %add3A_491, %mul3A_492 : vector<16xf32>
      %lt3A_494 = arith.constant 4.000000e-02 : f32
      %lt3A_495 = vector.broadcast %lt3A_494 : f32 to vector<16xf32>
      %lt3A_496 = arith.cmpf olt, %add3A_493, %lt3A_495 : vector<16xf32>
      %all_reduce_population_count3A_497 = tpu.all_reduce %lt3A_496 {dim = 0 : i64, kind = #tpu.reduction_kind<sum>} : vector<16xi1> -> vector<16xi32>
      %slice3A_498 = vector.extract_strided_slice %all_reduce_population_count3A_497 {offsets = [0], sizes = [1], strides = [1]} : vector<16xi32> to vector<1xi32>
      %squeeze3A_499 = vector.extract %slice3A_498[0] : i32 from vector<1xi32>
      %get3A_500 = arith.constant 272 : index
      %get3A_501 = tpu.vector_load %arg4[%get3A_500] {strides = array<i32>} : memref<4096xf32, #tpu.memory_space<vmem>>, vector<16xf32>,
      %sub3A_502 = arith.subf %get3A_501, %gather3A : vector<16xf32>
      %get3A_503 = arith.constant 272 : index
      %get3A_504 = tpu.vector_load %arg5[%get3A_503] {strides = array<i32>} : memref<4096xf32, #tpu.memory_space<vmem>>, vector<16xf32>,
      %sub3A_505 = arith.subf %get3A_504, %gather3A_65 : vector<16xf32>
      %get3A_506 = arith.constant 272 : index
      %get3A_507 = tpu.vector_load %arg6[%get3A_506] {strides = array<i32>} : memref<4096xf32, #tpu.memory_space<vmem>>, vector<16xf32>,
      %sub3A_508 = arith.subf %get3A_507, %gather3A_66 : vector<16xf32>
      %mul3A_509 = arith.mulf %sub3A_502, %sub3A_502 : vector<16xf32>
      %mul3A_510 = arith.mulf %sub3A_505, %sub3A_505 : vector<16xf32>
      %add3A_511 = arith.addf %mul3A_509, %mul3A_510 : vector<16xf32>
      %mul3A_512 = arith.mulf %sub3A_508, %sub3A_508 : vector<16xf32>
      %add3A_513 = arith.addf %add3A_511, %mul3A_512 : vector<16xf32>
      %lt3A_514 = arith.constant 4.000000e-02 : f32
      %lt3A_515 = vector.broadcast %lt3A_514 : f32 to vector<16xf32>
      %lt3A_516 = arith.cmpf olt, %add3A_513, %lt3A_515 : vector<16xf32>
      %all_reduce_population_count3A_517 = tpu.all_reduce %lt3A_516 {dim = 0 : i64, kind = #tpu.reduction_kind<sum>} : vector<16xi1> -> vector<16xi32>
      %slice3A_518 = vector.extract_strided_slice %all_reduce_population_count3A_517 {offsets = [0], sizes = [1], strides = [1]} : vector<16xi32> to vector<1xi32>
      %squeeze3A_519 = vector.extract %slice3A_518[0] : i32 from vector<1xi32>
      %get3A_520 = arith.constant 288 : index
      %get3A_521 = tpu.vector_load %arg4[%get3A_520] {strides = array<i32>} : memref<4096xf32, #tpu.memory_space<vmem>>, vector<16xf32>,
      %sub3A_522 = arith.subf %get3A_521, %gather3A : vector<16xf32>
      %get3A_523 = arith.constant 288 : index
      %get3A_524 = tpu.vector_load %arg5[%get3A_523] {strides = array<i32>} : memref<4096xf32, #tpu.memory_space<vmem>>, vector<16xf32>,
      %sub3A_525 = arith.subf %get3A_524, %gather3A_65 : vector<16xf32>
      %get3A_526 = arith.constant 288 : index
      %get3A_527 = tpu.vector_load %arg6[%get3A_526] {strides = array<i32>} : memref<4096xf32, #tpu.memory_space<vmem>>, vector<16xf32>,
      %sub3A_528 = arith.subf %get3A_527, %gather3A_66 : vector<16xf32>
      %mul3A_529 = arith.mulf %sub3A_522, %sub3A_522 : vector<16xf32>
      %mul3A_530 = arith.mulf %sub3A_525, %sub3A_525 : vector<16xf32>
      %add3A_531 = arith.addf %mul3A_529, %mul3A_530 : vector<16xf32>
      %mul3A_532 = arith.mulf %sub3A_528, %sub3A_528 : vector<16xf32>
      %add3A_533 = arith.addf %add3A_531, %mul3A_532 : vector<16xf32>
      %lt3A_534 = arith.constant 4.000000e-02 : f32
      %lt3A_535 = vector.broadcast %lt3A_534 : f32 to vector<16xf32>
      %lt3A_536 = arith.cmpf olt, %add3A_533, %lt3A_535 : vector<16xf32>
      %all_reduce_population_count3A_537 = tpu.all_reduce %lt3A_536 {dim = 0 : i64, kind = #tpu.reduction_kind<sum>} : vector<16xi1> -> vector<16xi32>
      %slice3A_538 = vector.extract_strided_slice %all_reduce_population_count3A_537 {offsets = [0], sizes = [1], strides = [1]} : vector<16xi32> to vector<1xi32>
      %squeeze3A_539 = vector.extract %slice3A_538[0] : i32 from vector<1xi32>
      %get3A_540 = arith.constant 304 : index
      %get3A_541 = tpu.vector_load %arg4[%get3A_540] {strides = array<i32>} : memref<4096xf32, #tpu.memory_space<vmem>>, vector<16xf32>,
      %sub3A_542 = arith.subf %get3A_541, %gather3A : vector<16xf32>
      %get3A_543 = arith.constant 304 : index
      %get3A_544 = tpu.vector_load %arg5[%get3A_543] {strides = array<i32>} : memref<4096xf32, #tpu.memory_space<vmem>>, vector<16xf32>,
      %sub3A_545 = arith.subf %get3A_544, %gather3A_65 : vector<16xf32>
      %get3A_546 = arith.constant 304 : index
      %get3A_547 = tpu.vector_load %arg6[%get3A_546] {strides = array<i32>} : memref<4096xf32, #tpu.memory_space<vmem>>, vector<16xf32>,
      %sub3A_548 = arith.subf %get3A_547, %gather3A_66 : vector<16xf32>
      %mul3A_549 = arith.mulf %sub3A_542, %sub3A_542 : vector<16xf32>
      %mul3A_550 = arith.mulf %sub3A_545, %sub3A_545 : vector<16xf32>
      %add3A_551 = arith.addf %mul3A_549, %mul3A_550 : vector<16xf32>
      %mul3A_552 = arith.mulf %sub3A_548, %sub3A_548 : vector<16xf32>
      %add3A_553 = arith.addf %add3A_551, %mul3A_552 : vector<16xf32>
      %lt3A_554 = arith.constant 4.000000e-02 : f32
      %lt3A_555 = vector.broadcast %lt3A_554 : f32 to vector<16xf32>
      %lt3A_556 = arith.cmpf olt, %add3A_553, %lt3A_555 : vector<16xf32>
      %all_reduce_population_count3A_557 = tpu.all_reduce %lt3A_556 {dim = 0 : i64, kind = #tpu.reduction_kind<sum>} : vector<16xi1> -> vector<16xi32>
      %slice3A_558 = vector.extract_strided_slice %all_reduce_population_count3A_557 {offsets = [0], sizes = [1], strides = [1]} : vector<16xi32> to vector<1xi32>
      %squeeze3A_559 = vector.extract %slice3A_558[0] : i32 from vector<1xi32>
      %get3A_560 = arith.constant 320 : index
      %get3A_561 = tpu.vector_load %arg4[%get3A_560] {strides = array<i32>} : memref<4096xf32, #tpu.memory_space<vmem>>, vector<16xf32>,
      %sub3A_562 = arith.subf %get3A_561, %gather3A : vector<16xf32>
      %get3A_563 = arith.constant 320 : index
      %get3A_564 = tpu.vector_load %arg5[%get3A_563] {strides = array<i32>} : memref<4096xf32, #tpu.memory_space<vmem>>, vector<16xf32>,
      %sub3A_565 = arith.subf %get3A_564, %gather3A_65 : vector<16xf32>
      %get3A_566 = arith.constant 320 : index
      %get3A_567 = tpu.vector_load %arg6[%get3A_566] {strides = array<i32>} : memref<4096xf32, #tpu.memory_space<vmem>>, vector<16xf32>,
      %sub3A_568 = arith.subf %get3A_567, %gather3A_66 : vector<16xf32>
      %mul3A_569 = arith.mulf %sub3A_562, %sub3A_562 : vector<16xf32>
      %mul3A_570 = arith.mulf %sub3A_565, %sub3A_565 : vector<16xf32>
      %add3A_571 = arith.addf %mul3A_569, %mul3A_570 : vector<16xf32>
      %mul3A_572 = arith.mulf %sub3A_568, %sub3A_568 : vector<16xf32>
      %add3A_573 = arith.addf %add3A_571, %mul3A_572 : vector<16xf32>
      %lt3A_574 = arith.constant 4.000000e-02 : f32
      %lt3A_575 = vector.broadcast %lt3A_574 : f32 to vector<16xf32>
      %lt3A_576 = arith.cmpf olt, %add3A_573, %lt3A_575 : vector<16xf32>
      %all_reduce_population_count3A_577 = tpu.all_reduce %lt3A_576 {dim = 0 : i64, kind = #tpu.reduction_kind<sum>} : vector<16xi1> -> vector<16xi32>
      %slice3A_578 = vector.extract_strided_slice %all_reduce_population_count3A_577 {offsets = [0], sizes = [1], strides = [1]} : vector<16xi32> to vector<1xi32>
      %squeeze3A_579 = vector.extract %slice3A_578[0] : i32 from vector<1xi32>
      %get3A_580 = arith.constant 336 : index
      %get3A_581 = tpu.vector_load %arg4[%get3A_580] {strides = array<i32>} : memref<4096xf32, #tpu.memory_space<vmem>>, vector<16xf32>,
      %sub3A_582 = arith.subf %get3A_581, %gather3A : vector<16xf32>
      %get3A_583 = arith.constant 336 : index
      %get3A_584 = tpu.vector_load %arg5[%get3A_583] {strides = array<i32>} : memref<4096xf32, #tpu.memory_space<vmem>>, vector<16xf32>,
      %sub3A_585 = arith.subf %get3A_584, %gather3A_65 : vector<16xf32>
      %get3A_586 = arith.constant 336 : index
      %get3A_587 = tpu.vector_load %arg6[%get3A_586] {strides = array<i32>} : memref<4096xf32, #tpu.memory_space<vmem>>, vector<16xf32>,
      %sub3A_588 = arith.subf %get3A_587, %gather3A_66 : vector<16xf32>
      %mul3A_589 = arith.mulf %sub3A_582, %sub3A_582 : vector<16xf32>
      %mul3A_590 = arith.mulf %sub3A_585, %sub3A_585 : vector<16xf32>
      %add3A_591 = arith.addf %mul3A_589, %mul3A_590 : vector<16xf32>
      %mul3A_592 = arith.mulf %sub3A_588, %sub3A_588 : vector<16xf32>
      %add3A_593 = arith.addf %add3A_591, %mul3A_592 : vector<16xf32>
      %lt3A_594 = arith.constant 4.000000e-02 : f32
      %lt3A_595 = vector.broadcast %lt3A_594 : f32 to vector<16xf32>
      %lt3A_596 = arith.cmpf olt, %add3A_593, %lt3A_595 : vector<16xf32>
      %all_reduce_population_count3A_597 = tpu.all_reduce %lt3A_596 {dim = 0 : i64, kind = #tpu.reduction_kind<sum>} : vector<16xi1> -> vector<16xi32>
      %slice3A_598 = vector.extract_strided_slice %all_reduce_population_count3A_597 {offsets = [0], sizes = [1], strides = [1]} : vector<16xi32> to vector<1xi32>
      %squeeze3A_599 = vector.extract %slice3A_598[0] : i32 from vector<1xi32>
      %get3A_600 = arith.constant 352 : index
      %get3A_601 = tpu.vector_load %arg4[%get3A_600] {strides = array<i32>} : memref<4096xf32, #tpu.memory_space<vmem>>, vector<16xf32>,
      %sub3A_602 = arith.subf %get3A_601, %gather3A : vector<16xf32>
      %get3A_603 = arith.constant 352 : index
      %get3A_604 = tpu.vector_load %arg5[%get3A_603] {strides = array<i32>} : memref<4096xf32, #tpu.memory_space<vmem>>, vector<16xf32>,
      %sub3A_605 = arith.subf %get3A_604, %gather3A_65 : vector<16xf32>
      %get3A_606 = arith.constant 352 : index
      %get3A_607 = tpu.vector_load %arg6[%get3A_606] {strides = array<i32>} : memref<4096xf32, #tpu.memory_space<vmem>>, vector<16xf32>,
      %sub3A_608 = arith.subf %get3A_607, %gather3A_66 : vector<16xf32>
      %mul3A_609 = arith.mulf %sub3A_602, %sub3A_602 : vector<16xf32>
      %mul3A_610 = arith.mulf %sub3A_605, %sub3A_605 : vector<16xf32>
      %add3A_611 = arith.addf %mul3A_609, %mul3A_610 : vector<16xf32>
      %mul3A_612 = arith.mulf %sub3A_608, %sub3A_608 : vector<16xf32>
      %add3A_613 = arith.addf %add3A_611, %mul3A_612 : vector<16xf32>
      %lt3A_614 = arith.constant 4.000000e-02 : f32
      %lt3A_615 = vector.broadcast %lt3A_614 : f32 to vector<16xf32>
      %lt3A_616 = arith.cmpf olt, %add3A_613, %lt3A_615 : vector<16xf32>
      %all_reduce_population_count3A_617 = tpu.all_reduce %lt3A_616 {dim = 0 : i64, kind = #tpu.reduction_kind<sum>} : vector<16xi1> -> vector<16xi32>
      %slice3A_618 = vector.extract_strided_slice %all_reduce_population_count3A_617 {offsets = [0], sizes = [1], strides = [1]} : vector<16xi32> to vector<1xi32>
      %squeeze3A_619 = vector.extract %slice3A_618[0] : i32 from vector<1xi32>
      %get3A_620 = arith.constant 368 : index
      %get3A_621 = tpu.vector_load %arg4[%get3A_620] {strides = array<i32>} : memref<4096xf32, #tpu.memory_space<vmem>>, vector<16xf32>,
      %sub3A_622 = arith.subf %get3A_621, %gather3A : vector<16xf32>
      %get3A_623 = arith.constant 368 : index
      %get3A_624 = tpu.vector_load %arg5[%get3A_623] {strides = array<i32>} : memref<4096xf32, #tpu.memory_space<vmem>>, vector<16xf32>,
      %sub3A_625 = arith.subf %get3A_624, %gather3A_65 : vector<16xf32>
      %get3A_626 = arith.constant 368 : index
      %get3A_627 = tpu.vector_load %arg6[%get3A_626] {strides = array<i32>} : memref<4096xf32, #tpu.memory_space<vmem>>, vector<16xf32>,
      %sub3A_628 = arith.subf %get3A_627, %gather3A_66 : vector<16xf32>
      %mul3A_629 = arith.mulf %sub3A_622, %sub3A_622 : vector<16xf32>
      %mul3A_630 = arith.mulf %sub3A_625, %sub3A_625 : vector<16xf32>
      %add3A_631 = arith.addf %mul3A_629, %mul3A_630 : vector<16xf32>
      %mul3A_632 = arith.mulf %sub3A_628, %sub3A_628 : vector<16xf32>
      %add3A_633 = arith.addf %add3A_631, %mul3A_632 : vector<16xf32>
      %lt3A_634 = arith.constant 4.000000e-02 : f32
      %lt3A_635 = vector.broadcast %lt3A_634 : f32 to vector<16xf32>
      %lt3A_636 = arith.cmpf olt, %add3A_633, %lt3A_635 : vector<16xf32>
      %all_reduce_population_count3A_637 = tpu.all_reduce %lt3A_636 {dim = 0 : i64, kind = #tpu.reduction_kind<sum>} : vector<16xi1> -> vector<16xi32>
      %slice3A_638 = vector.extract_strided_slice %all_reduce_population_count3A_637 {offsets = [0], sizes = [1], strides = [1]} : vector<16xi32> to vector<1xi32>
      %squeeze3A_639 = vector.extract %slice3A_638[0] : i32 from vector<1xi32>
      %get3A_640 = arith.constant 384 : index
      %get3A_641 = tpu.vector_load %arg4[%get3A_640] {strides = array<i32>} : memref<4096xf32, #tpu.memory_space<vmem>>, vector<16xf32>,
      %sub3A_642 = arith.subf %get3A_641, %gather3A : vector<16xf32>
      %get3A_643 = arith.constant 384 : index
      %get3A_644 = tpu.vector_load %arg5[%get3A_643] {strides = array<i32>} : memref<4096xf32, #tpu.memory_space<vmem>>, vector<16xf32>,
      %sub3A_645 = arith.subf %get3A_644, %gather3A_65 : vector<16xf32>
      %get3A_646 = arith.constant 384 : index
      %get3A_647 = tpu.vector_load %arg6[%get3A_646] {strides = array<i32>} : memref<4096xf32, #tpu.memory_space<vmem>>, vector<16xf32>,
      %sub3A_648 = arith.subf %get3A_647, %gather3A_66 : vector<16xf32>
      %mul3A_649 = arith.mulf %sub3A_642, %sub3A_642 : vector<16xf32>
      %mul3A_650 = arith.mulf %sub3A_645, %sub3A_645 : vector<16xf32>
      %add3A_651 = arith.addf %mul3A_649, %mul3A_650 : vector<16xf32>
      %mul3A_652 = arith.mulf %sub3A_648, %sub3A_648 : vector<16xf32>
      %add3A_653 = arith.addf %add3A_651, %mul3A_652 : vector<16xf32>
      %lt3A_654 = arith.constant 4.000000e-02 : f32
      %lt3A_655 = vector.broadcast %lt3A_654 : f32 to vector<16xf32>
      %lt3A_656 = arith.cmpf olt, %add3A_653, %lt3A_655 : vector<16xf32>
      %all_reduce_population_count3A_657 = tpu.all_reduce %lt3A_656 {dim = 0 : i64, kind = #tpu.reduction_kind<sum>} : vector<16xi1> -> vector<16xi32>
      %slice3A_658 = vector.extract_strided_slice %all_reduce_population_count3A_657 {offsets = [0], sizes = [1], strides = [1]} : vector<16xi32> to vector<1xi32>
      %squeeze3A_659 = vector.extract %slice3A_658[0] : i32 from vector<1xi32>
      %get3A_660 = arith.constant 400 : index
      %get3A_661 = tpu.vector_load %arg4[%get3A_660] {strides = array<i32>} : memref<4096xf32, #tpu.memory_space<vmem>>, vector<16xf32>,
      %sub3A_662 = arith.subf %get3A_661, %gather3A : vector<16xf32>
      %get3A_663 = arith.constant 400 : index
      %get3A_664 = tpu.vector_load %arg5[%get3A_663] {strides = array<i32>} : memref<4096xf32, #tpu.memory_space<vmem>>, vector<16xf32>,
      %sub3A_665 = arith.subf %get3A_664, %gather3A_65 : vector<16xf32>
      %get3A_666 = arith.constant 400 : index
      %get3A_667 = tpu.vector_load %arg6[%get3A_666] {strides = array<i32>} : memref<4096xf32, #tpu.memory_space<vmem>>, vector<16xf32>,
      %sub3A_668 = arith.subf %get3A_667, %gather3A_66 : vector<16xf32>
      %mul3A_669 = arith.mulf %sub3A_662, %sub3A_662 : vector<16xf32>
      %mul3A_670 = arith.mulf %sub3A_665, %sub3A_665 : vector<16xf32>
      %add3A_671 = arith.addf %mul3A_669, %mul3A_670 : vector<16xf32>
      %mul3A_672 = arith.mulf %sub3A_668, %sub3A_668 : vector<16xf32>
      %add3A_673 = arith.addf %add3A_671, %mul3A_672 : vector<16xf32>
      %lt3A_674 = arith.constant 4.000000e-02 : f32
      %lt3A_675 = vector.broadcast %lt3A_674 : f32 to vector<16xf32>
      %lt3A_676 = arith.cmpf olt, %add3A_673, %lt3A_675 : vector<16xf32>
      %all_reduce_population_count3A_677 = tpu.all_reduce %lt3A_676 {dim = 0 : i64, kind = #tpu.reduction_kind<sum>} : vector<16xi1> -> vector<16xi32>
      %slice3A_678 = vector.extract_strided_slice %all_reduce_population_count3A_677 {offsets = [0], sizes = [1], strides = [1]} : vector<16xi32> to vector<1xi32>
      %squeeze3A_679 = vector.extract %slice3A_678[0] : i32 from vector<1xi32>
      %get3A_680 = arith.constant 416 : index
      %get3A_681 = tpu.vector_load %arg4[%get3A_680] {strides = array<i32>} : memref<4096xf32, #tpu.memory_space<vmem>>, vector<16xf32>,
      %sub3A_682 = arith.subf %get3A_681, %gather3A : vector<16xf32>
      %get3A_683 = arith.constant 416 : index
      %get3A_684 = tpu.vector_load %arg5[%get3A_683] {strides = array<i32>} : memref<4096xf32, #tpu.memory_space<vmem>>, vector<16xf32>,
      %sub3A_685 = arith.subf %get3A_684, %gather3A_65 : vector<16xf32>
      %get3A_686 = arith.constant 416 : index
      %get3A_687 = tpu.vector_load %arg6[%get3A_686] {strides = array<i32>} : memref<4096xf32, #tpu.memory_space<vmem>>, vector<16xf32>,
      %sub3A_688 = arith.subf %get3A_687, %gather3A_66 : vector<16xf32>
      %mul3A_689 = arith.mulf %sub3A_682, %sub3A_682 : vector<16xf32>
      %mul3A_690 = arith.mulf %sub3A_685, %sub3A_685 : vector<16xf32>
      %add3A_691 = arith.addf %mul3A_689, %mul3A_690 : vector<16xf32>
      %mul3A_692 = arith.mulf %sub3A_688, %sub3A_688 : vector<16xf32>
      %add3A_693 = arith.addf %add3A_691, %mul3A_692 : vector<16xf32>
      %lt3A_694 = arith.constant 4.000000e-02 : f32
      %lt3A_695 = vector.broadcast %lt3A_694 : f32 to vector<16xf32>
      %lt3A_696 = arith.cmpf olt, %add3A_693, %lt3A_695 : vector<16xf32>
      %all_reduce_population_count3A_697 = tpu.all_reduce %lt3A_696 {dim = 0 : i64, kind = #tpu.reduction_kind<sum>} : vector<16xi1> -> vector<16xi32>
      %slice3A_698 = vector.extract_strided_slice %all_reduce_population_count3A_697 {offsets = [0], sizes = [1], strides = [1]} : vector<16xi32> to vector<1xi32>
      %squeeze3A_699 = vector.extract %slice3A_698[0] : i32 from vector<1xi32>
      %get3A_700 = arith.constant 432 : index
      %get3A_701 = tpu.vector_load %arg4[%get3A_700] {strides = array<i32>} : memref<4096xf32, #tpu.memory_space<vmem>>, vector<16xf32>,
      %sub3A_702 = arith.subf %get3A_701, %gather3A : vector<16xf32>
      %get3A_703 = arith.constant 432 : index
      %get3A_704 = tpu.vector_load %arg5[%get3A_703] {strides = array<i32>} : memref<4096xf32, #tpu.memory_space<vmem>>, vector<16xf32>,
      %sub3A_705 = arith.subf %get3A_704, %gather3A_65 : vector<16xf32>
      %get3A_706 = arith.constant 432 : index
      %get3A_707 = tpu.vector_load %arg6[%get3A_706] {strides = array<i32>} : memref<4096xf32, #tpu.memory_space<vmem>>, vector<16xf32>,
      %sub3A_708 = arith.subf %get3A_707, %gather3A_66 : vector<16xf32>
      %mul3A_709 = arith.mulf %sub3A_702, %sub3A_702 : vector<16xf32>
      %mul3A_710 = arith.mulf %sub3A_705, %sub3A_705 : vector<16xf32>
      %add3A_711 = arith.addf %mul3A_709, %mul3A_710 : vector<16xf32>
      %mul3A_712 = arith.mulf %sub3A_708, %sub3A_708 : vector<16xf32>
      %add3A_713 = arith.addf %add3A_711, %mul3A_712 : vector<16xf32>
      %lt3A_714 = arith.constant 4.000000e-02 : f32
      %lt3A_715 = vector.broadcast %lt3A_714 : f32 to vector<16xf32>
      %lt3A_716 = arith.cmpf olt, %add3A_713, %lt3A_715 : vector<16xf32>
      %all_reduce_population_count3A_717 = tpu.all_reduce %lt3A_716 {dim = 0 : i64, kind = #tpu.reduction_kind<sum>} : vector<16xi1> -> vector<16xi32>
      %slice3A_718 = vector.extract_strided_slice %all_reduce_population_count3A_717 {offsets = [0], sizes = [1], strides = [1]} : vector<16xi32> to vector<1xi32>
      %squeeze3A_719 = vector.extract %slice3A_718[0] : i32 from vector<1xi32>
      %get3A_720 = arith.constant 448 : index
      %get3A_721 = tpu.vector_load %arg4[%get3A_720] {strides = array<i32>} : memref<4096xf32, #tpu.memory_space<vmem>>, vector<16xf32>,
      %sub3A_722 = arith.subf %get3A_721, %gather3A : vector<16xf32>
      %get3A_723 = arith.constant 448 : index
      %get3A_724 = tpu.vector_load %arg5[%get3A_723] {strides = array<i32>} : memref<4096xf32, #tpu.memory_space<vmem>>, vector<16xf32>,
      %sub3A_725 = arith.subf %get3A_724, %gather3A_65 : vector<16xf32>
      %get3A_726 = arith.constant 448 : index
      %get3A_727 = tpu.vector_load %arg6[%get3A_726] {strides = array<i32>} : memref<4096xf32, #tpu.memory_space<vmem>>, vector<16xf32>,
      %sub3A_728 = arith.subf %get3A_727, %gather3A_66 : vector<16xf32>
      %mul3A_729 = arith.mulf %sub3A_722, %sub3A_722 : vector<16xf32>
      %mul3A_730 = arith.mulf %sub3A_725, %sub3A_725 : vector<16xf32>
      %add3A_731 = arith.addf %mul3A_729, %mul3A_730 : vector<16xf32>
      %mul3A_732 = arith.mulf %sub3A_728, %sub3A_728 : vector<16xf32>
      %add3A_733 = arith.addf %add3A_731, %mul3A_732 : vector<16xf32>
      %lt3A_734 = arith.constant 4.000000e-02 : f32
      %lt3A_735 = vector.broadcast %lt3A_734 : f32 to vector<16xf32>
      %lt3A_736 = arith.cmpf olt, %add3A_733, %lt3A_735 : vector<16xf32>
      %all_reduce_population_count3A_737 = tpu.all_reduce %lt3A_736 {dim = 0 : i64, kind = #tpu.reduction_kind<sum>} : vector<16xi1> -> vector<16xi32>
      %slice3A_738 = vector.extract_strided_slice %all_reduce_population_count3A_737 {offsets = [0], sizes = [1], strides = [1]} : vector<16xi32> to vector<1xi32>
      %squeeze3A_739 = vector.extract %slice3A_738[0] : i32 from vector<1xi32>
      %get3A_740 = arith.constant 464 : index
      %get3A_741 = tpu.vector_load %arg4[%get3A_740] {strides = array<i32>} : memref<4096xf32, #tpu.memory_space<vmem>>, vector<16xf32>,
      %sub3A_742 = arith.subf %get3A_741, %gather3A : vector<16xf32>
      %get3A_743 = arith.constant 464 : index
      %get3A_744 = tpu.vector_load %arg5[%get3A_743] {strides = array<i32>} : memref<4096xf32, #tpu.memory_space<vmem>>, vector<16xf32>,
      %sub3A_745 = arith.subf %get3A_744, %gather3A_65 : vector<16xf32>
      %get3A_746 = arith.constant 464 : index
      %get3A_747 = tpu.vector_load %arg6[%get3A_746] {strides = array<i32>} : memref<4096xf32, #tpu.memory_space<vmem>>, vector<16xf32>,
      %sub3A_748 = arith.subf %get3A_747, %gather3A_66 : vector<16xf32>
      %mul3A_749 = arith.mulf %sub3A_742, %sub3A_742 : vector<16xf32>
      %mul3A_750 = arith.mulf %sub3A_745, %sub3A_745 : vector<16xf32>
      %add3A_751 = arith.addf %mul3A_749, %mul3A_750 : vector<16xf32>
      %mul3A_752 = arith.mulf %sub3A_748, %sub3A_748 : vector<16xf32>
      %add3A_753 = arith.addf %add3A_751, %mul3A_752 : vector<16xf32>
      %lt3A_754 = arith.constant 4.000000e-02 : f32
      %lt3A_755 = vector.broadcast %lt3A_754 : f32 to vector<16xf32>
      %lt3A_756 = arith.cmpf olt, %add3A_753, %lt3A_755 : vector<16xf32>
      %all_reduce_population_count3A_757 = tpu.all_reduce %lt3A_756 {dim = 0 : i64, kind = #tpu.reduction_kind<sum>} : vector<16xi1> -> vector<16xi32>
      %slice3A_758 = vector.extract_strided_slice %all_reduce_population_count3A_757 {offsets = [0], sizes = [1], strides = [1]} : vector<16xi32> to vector<1xi32>
      %squeeze3A_759 = vector.extract %slice3A_758[0] : i32 from vector<1xi32>
      %get3A_760 = arith.constant 480 : index
      %get3A_761 = tpu.vector_load %arg4[%get3A_760] {strides = array<i32>} : memref<4096xf32, #tpu.memory_space<vmem>>, vector<16xf32>,
      %sub3A_762 = arith.subf %get3A_761, %gather3A : vector<16xf32>
      %get3A_763 = arith.constant 480 : index
      %get3A_764 = tpu.vector_load %arg5[%get3A_763] {strides = array<i32>} : memref<4096xf32, #tpu.memory_space<vmem>>, vector<16xf32>,
      %sub3A_765 = arith.subf %get3A_764, %gather3A_65 : vector<16xf32>
      %get3A_766 = arith.constant 480 : index
      %get3A_767 = tpu.vector_load %arg6[%get3A_766] {strides = array<i32>} : memref<4096xf32, #tpu.memory_space<vmem>>, vector<16xf32>,
      %sub3A_768 = arith.subf %get3A_767, %gather3A_66 : vector<16xf32>
      %mul3A_769 = arith.mulf %sub3A_762, %sub3A_762 : vector<16xf32>
      %mul3A_770 = arith.mulf %sub3A_765, %sub3A_765 : vector<16xf32>
      %add3A_771 = arith.addf %mul3A_769, %mul3A_770 : vector<16xf32>
      %mul3A_772 = arith.mulf %sub3A_768, %sub3A_768 : vector<16xf32>
      %add3A_773 = arith.addf %add3A_771, %mul3A_772 : vector<16xf32>
      %lt3A_774 = arith.constant 4.000000e-02 : f32
      %lt3A_775 = vector.broadcast %lt3A_774 : f32 to vector<16xf32>
      %lt3A_776 = arith.cmpf olt, %add3A_773, %lt3A_775 : vector<16xf32>
      %all_reduce_population_count3A_777 = tpu.all_reduce %lt3A_776 {dim = 0 : i64, kind = #tpu.reduction_kind<sum>} : vector<16xi1> -> vector<16xi32>
      %slice3A_778 = vector.extract_strided_slice %all_reduce_population_count3A_777 {offsets = [0], sizes = [1], strides = [1]} : vector<16xi32> to vector<1xi32>
      %squeeze3A_779 = vector.extract %slice3A_778[0] : i32 from vector<1xi32>
      %get3A_780 = arith.constant 496 : index
      %get3A_781 = tpu.vector_load %arg4[%get3A_780] {strides = array<i32>} : memref<4096xf32, #tpu.memory_space<vmem>>, vector<16xf32>,
      %sub3A_782 = arith.subf %get3A_781, %gather3A : vector<16xf32>
      %get3A_783 = arith.constant 496 : index
      %get3A_784 = tpu.vector_load %arg5[%get3A_783] {strides = array<i32>} : memref<4096xf32, #tpu.memory_space<vmem>>, vector<16xf32>,
      %sub3A_785 = arith.subf %get3A_784, %gather3A_65 : vector<16xf32>
      %get3A_786 = arith.constant 496 : index
      %get3A_787 = tpu.vector_load %arg6[%get3A_786] {strides = array<i32>} : memref<4096xf32, #tpu.memory_space<vmem>>, vector<16xf32>,
      %sub3A_788 = arith.subf %get3A_787, %gather3A_66 : vector<16xf32>
      %mul3A_789 = arith.mulf %sub3A_782, %sub3A_782 : vector<16xf32>
      %mul3A_790 = arith.mulf %sub3A_785, %sub3A_785 : vector<16xf32>
      %add3A_791 = arith.addf %mul3A_789, %mul3A_790 : vector<16xf32>
      %mul3A_792 = arith.mulf %sub3A_788, %sub3A_788 : vector<16xf32>
      %add3A_793 = arith.addf %add3A_791, %mul3A_792 : vector<16xf32>
      %lt3A_794 = arith.constant 4.000000e-02 : f32
      %lt3A_795 = vector.broadcast %lt3A_794 : f32 to vector<16xf32>
      %lt3A_796 = arith.cmpf olt, %add3A_793, %lt3A_795 : vector<16xf32>
      %all_reduce_population_count3A_797 = tpu.all_reduce %lt3A_796 {dim = 0 : i64, kind = #tpu.reduction_kind<sum>} : vector<16xi1> -> vector<16xi32>
      %slice3A_798 = vector.extract_strided_slice %all_reduce_population_count3A_797 {offsets = [0], sizes = [1], strides = [1]} : vector<16xi32> to vector<1xi32>
      %squeeze3A_799 = vector.extract %slice3A_798[0] : i32 from vector<1xi32>
      %add3A_800 = arith.constant 256 : i32
      %add3A_801 = vector.broadcast %add3A_800 : i32 to vector<16xi32>
      %add3A_802 = arith.addi %iota3A, %add3A_801 : vector<16xi32>
      %swap3A_803 = arith.index_cast %add3A_479 : i32 to index
      %swap3A_804 = tpu.vector_load %arg7[%swap3A_803] masked %lt3A_496 {strides = array<i32>} : memref<1024xi32, #tpu.memory_space<vmem>>, vector<16xi32>, vector<16xi1>
      tpu.vector_store %arg7[%swap3A_803], %add3A_802 masked %lt3A_496 {strides = array<i32>} : memref<1024xi32, #tpu.memory_space<vmem>>, vector<16xi32>, vector<16xi1>
      %add3A_805 = arith.addi %add3A_479, %squeeze3A_499 : i32
      %add3A_806 = arith.constant 272 : i32
      %add3A_807 = vector.broadcast %add3A_806 : i32 to vector<16xi32>
      %add3A_808 = arith.addi %iota3A, %add3A_807 : vector<16xi32>
      %swap3A_809 = arith.index_cast %add3A_805 : i32 to index
      %swap3A_810 = tpu.vector_load %arg7[%swap3A_809] masked %lt3A_516 {strides = array<i32>} : memref<1024xi32, #tpu.memory_space<vmem>>, vector<16xi32>, vector<16xi1>
      tpu.vector_store %arg7[%swap3A_809], %add3A_808 masked %lt3A_516 {strides = array<i32>} : memref<1024xi32, #tpu.memory_space<vmem>>, vector<16xi32>, vector<16xi1>
      %add3A_811 = arith.addi %add3A_805, %squeeze3A_519 : i32
      %add3A_812 = arith.constant 288 : i32
      %add3A_813 = vector.broadcast %add3A_812 : i32 to vector<16xi32>
      %add3A_814 = arith.addi %iota3A, %add3A_813 : vector<16xi32>
      %swap3A_815 = arith.index_cast %add3A_811 : i32 to index
      %swap3A_816 = tpu.vector_load %arg7[%swap3A_815] masked %lt3A_536 {strides = array<i32>} : memref<1024xi32, #tpu.memory_space<vmem>>, vector<16xi32>, vector<16xi1>
      tpu.vector_store %arg7[%swap3A_815], %add3A_814 masked %lt3A_536 {strides = array<i32>} : memref<1024xi32, #tpu.memory_space<vmem>>, vector<16xi32>, vector<16xi1>
      %add3A_817 = arith.addi %add3A_811, %squeeze3A_539 : i32
      %add3A_818 = arith.constant 304 : i32
      %add3A_819 = vector.broadcast %add3A_818 : i32 to vector<16xi32>
      %add3A_820 = arith.addi %iota3A, %add3A_819 : vector<16xi32>
      %swap3A_821 = arith.index_cast %add3A_817 : i32 to index
      %swap3A_822 = tpu.vector_load %arg7[%swap3A_821] masked %lt3A_556 {strides = array<i32>} : memref<1024xi32, #tpu.memory_space<vmem>>, vector<16xi32>, vector<16xi1>
      tpu.vector_store %arg7[%swap3A_821], %add3A_820 masked %lt3A_556 {strides = array<i32>} : memref<1024xi32, #tpu.memory_space<vmem>>, vector<16xi32>, vector<16xi1>
      %add3A_823 = arith.addi %add3A_817, %squeeze3A_559 : i32
      %add3A_824 = arith.constant 320 : i32
      %add3A_825 = vector.broadcast %add3A_824 : i32 to vector<16xi32>
      %add3A_826 = arith.addi %iota3A, %add3A_825 : vector<16xi32>
      %swap3A_827 = arith.index_cast %add3A_823 : i32 to index
      %swap3A_828 = tpu.vector_load %arg7[%swap3A_827] masked %lt3A_576 {strides = array<i32>} : memref<1024xi32, #tpu.memory_space<vmem>>, vector<16xi32>, vector<16xi1>
      tpu.vector_store %arg7[%swap3A_827], %add3A_826 masked %lt3A_576 {strides = array<i32>} : memref<1024xi32, #tpu.memory_space<vmem>>, vector<16xi32>, vector<16xi1>
      %add3A_829 = arith.addi %add3A_823, %squeeze3A_579 : i32
      %add3A_830 = arith.constant 336 : i32
      %add3A_831 = vector.broadcast %add3A_830 : i32 to vector<16xi32>
      %add3A_832 = arith.addi %iota3A, %add3A_831 : vector<16xi32>
      %swap3A_833 = arith.index_cast %add3A_829 : i32 to index
      %swap3A_834 = tpu.vector_load %arg7[%swap3A_833] masked %lt3A_596 {strides = array<i32>} : memref<1024xi32, #tpu.memory_space<vmem>>, vector<16xi32>, vector<16xi1>
      tpu.vector_store %arg7[%swap3A_833], %add3A_832 masked %lt3A_596 {strides = array<i32>} : memref<1024xi32, #tpu.memory_space<vmem>>, vector<16xi32>, vector<16xi1>
      %add3A_835 = arith.addi %add3A_829, %squeeze3A_599 : i32
      %add3A_836 = arith.constant 352 : i32
      %add3A_837 = vector.broadcast %add3A_836 : i32 to vector<16xi32>
      %add3A_838 = arith.addi %iota3A, %add3A_837 : vector<16xi32>
      %swap3A_839 = arith.index_cast %add3A_835 : i32 to index
      %swap3A_840 = tpu.vector_load %arg7[%swap3A_839] masked %lt3A_616 {strides = array<i32>} : memref<1024xi32, #tpu.memory_space<vmem>>, vector<16xi32>, vector<16xi1>
      tpu.vector_store %arg7[%swap3A_839], %add3A_838 masked %lt3A_616 {strides = array<i32>} : memref<1024xi32, #tpu.memory_space<vmem>>, vector<16xi32>, vector<16xi1>
      %add3A_841 = arith.addi %add3A_835, %squeeze3A_619 : i32
      %add3A_842 = arith.constant 368 : i32
      %add3A_843 = vector.broadcast %add3A_842 : i32 to vector<16xi32>
      %add3A_844 = arith.addi %iota3A, %add3A_843 : vector<16xi32>
      %swap3A_845 = arith.index_cast %add3A_841 : i32 to index
      %swap3A_846 = tpu.vector_load %arg7[%swap3A_845] masked %lt3A_636 {strides = array<i32>} : memref<1024xi32, #tpu.memory_space<vmem>>, vector<16xi32>, vector<16xi1>
      tpu.vector_store %arg7[%swap3A_845], %add3A_844 masked %lt3A_636 {strides = array<i32>} : memref<1024xi32, #tpu.memory_space<vmem>>, vector<16xi32>, vector<16xi1>
      %add3A_847 = arith.addi %add3A_841, %squeeze3A_639 : i32
      %add3A_848 = arith.constant 384 : i32
      %add3A_849 = vector.broadcast %add3A_848 : i32 to vector<16xi32>
      %add3A_850 = arith.addi %iota3A, %add3A_849 : vector<16xi32>
      %swap3A_851 = arith.index_cast %add3A_847 : i32 to index
      %swap3A_852 = tpu.vector_load %arg7[%swap3A_851] masked %lt3A_656 {strides = array<i32>} : memref<1024xi32, #tpu.memory_space<vmem>>, vector<16xi32>, vector<16xi1>
      tpu.vector_store %arg7[%swap3A_851], %add3A_850 masked %lt3A_656 {strides = array<i32>} : memref<1024xi32, #tpu.memory_space<vmem>>, vector<16xi32>, vector<16xi1>
      %add3A_853 = arith.addi %add3A_847, %squeeze3A_659 : i32
      %add3A_854 = arith.constant 400 : i32
      %add3A_855 = vector.broadcast %add3A_854 : i32 to vector<16xi32>
      %add3A_856 = arith.addi %iota3A, %add3A_855 : vector<16xi32>
      %swap3A_857 = arith.index_cast %add3A_853 : i32 to index
      %swap3A_858 = tpu.vector_load %arg7[%swap3A_857] masked %lt3A_676 {strides = array<i32>} : memref<1024xi32, #tpu.memory_space<vmem>>, vector<16xi32>, vector<16xi1>
      tpu.vector_store %arg7[%swap3A_857], %add3A_856 masked %lt3A_676 {strides = array<i32>} : memref<1024xi32, #tpu.memory_space<vmem>>, vector<16xi32>, vector<16xi1>
      %add3A_859 = arith.addi %add3A_853, %squeeze3A_679 : i32
      %add3A_860 = arith.constant 416 : i32
      %add3A_861 = vector.broadcast %add3A_860 : i32 to vector<16xi32>
      %add3A_862 = arith.addi %iota3A, %add3A_861 : vector<16xi32>
      %swap3A_863 = arith.index_cast %add3A_859 : i32 to index
      %swap3A_864 = tpu.vector_load %arg7[%swap3A_863] masked %lt3A_696 {strides = array<i32>} : memref<1024xi32, #tpu.memory_space<vmem>>, vector<16xi32>, vector<16xi1>
      tpu.vector_store %arg7[%swap3A_863], %add3A_862 masked %lt3A_696 {strides = array<i32>} : memref<1024xi32, #tpu.memory_space<vmem>>, vector<16xi32>, vector<16xi1>
      %add3A_865 = arith.addi %add3A_859, %squeeze3A_699 : i32
      %add3A_866 = arith.constant 432 : i32
      %add3A_867 = vector.broadcast %add3A_866 : i32 to vector<16xi32>
      %add3A_868 = arith.addi %iota3A, %add3A_867 : vector<16xi32>
      %swap3A_869 = arith.index_cast %add3A_865 : i32 to index
      %swap3A_870 = tpu.vector_load %arg7[%swap3A_869] masked %lt3A_716 {strides = array<i32>} : memref<1024xi32, #tpu.memory_space<vmem>>, vector<16xi32>, vector<16xi1>
      tpu.vector_store %arg7[%swap3A_869], %add3A_868 masked %lt3A_716 {strides = array<i32>} : memref<1024xi32, #tpu.memory_space<vmem>>, vector<16xi32>, vector<16xi1>
      %add3A_871 = arith.addi %add3A_865, %squeeze3A_719 : i32
      %add3A_872 = arith.constant 448 : i32
      %add3A_873 = vector.broadcast %add3A_872 : i32 to vector<16xi32>
      %add3A_874 = arith.addi %iota3A, %add3A_873 : vector<16xi32>
      %swap3A_875 = arith.index_cast %add3A_871 : i32 to index
      %swap3A_876 = tpu.vector_load %arg7[%swap3A_875] masked %lt3A_736 {strides = array<i32>} : memref<1024xi32, #tpu.memory_space<vmem>>, vector<16xi32>, vector<16xi1>
      tpu.vector_store %arg7[%swap3A_875], %add3A_874 masked %lt3A_736 {strides = array<i32>} : memref<1024xi32, #tpu.memory_space<vmem>>, vector<16xi32>, vector<16xi1>
      %add3A_877 = arith.addi %add3A_871, %squeeze3A_739 : i32
      %add3A_878 = arith.constant 464 : i32
      %add3A_879 = vector.broadcast %add3A_878 : i32 to vector<16xi32>
      %add3A_880 = arith.addi %iota3A, %add3A_879 : vector<16xi32>
      %swap3A_881 = arith.index_cast %add3A_877 : i32 to index
      %swap3A_882 = tpu.vector_load %arg7[%swap3A_881] masked %lt3A_756 {strides = array<i32>} : memref<1024xi32, #tpu.memory_space<vmem>>, vector<16xi32>, vector<16xi1>
      tpu.vector_store %arg7[%swap3A_881], %add3A_880 masked %lt3A_756 {strides = array<i32>} : memref<1024xi32, #tpu.memory_space<vmem>>, vector<16xi32>, vector<16xi1>
      %add3A_883 = arith.addi %add3A_877, %squeeze3A_759 : i32
      %add3A_884 = arith.constant 480 : i32
      %add3A_885 = vector.broadcast %add3A_884 : i32 to vector<16xi32>
      %add3A_886 = arith.addi %iota3A, %add3A_885 : vector<16xi32>
      %swap3A_887 = arith.index_cast %add3A_883 : i32 to index
      %swap3A_888 = tpu.vector_load %arg7[%swap3A_887] masked %lt3A_776 {strides = array<i32>} : memref<1024xi32, #tpu.memory_space<vmem>>, vector<16xi32>, vector<16xi1>
      tpu.vector_store %arg7[%swap3A_887], %add3A_886 masked %lt3A_776 {strides = array<i32>} : memref<1024xi32, #tpu.memory_space<vmem>>, vector<16xi32>, vector<16xi1>
      %add3A_889 = arith.addi %add3A_883, %squeeze3A_779 : i32
      %add3A_890 = arith.constant 496 : i32
      %add3A_891 = vector.broadcast %add3A_890 : i32 to vector<16xi32>
      %add3A_892 = arith.addi %iota3A, %add3A_891 : vector<16xi32>
      %swap3A_893 = arith.index_cast %add3A_889 : i32 to index
      %swap3A_894 = tpu.vector_load %arg7[%swap3A_893] masked %lt3A_796 {strides = array<i32>} : memref<1024xi32, #tpu.memory_space<vmem>>, vector<16xi32>, vector<16xi1>
      tpu.vector_store %arg7[%swap3A_893], %add3A_892 masked %lt3A_796 {strides = array<i32>} : memref<1024xi32, #tpu.memory_space<vmem>>, vector<16xi32>, vector<16xi1>
      %add3A_895 = arith.addi %add3A_889, %squeeze3A_799 : i32
      %get3A_896 = arith.constant 512 : index
      %get3A_897 = tpu.vector_load %arg4[%get3A_896] {strides = array<i32>} : memref<4096xf32, #tpu.memory_space<vmem>>, vector<16xf32>,
      %sub3A_898 = arith.subf %get3A_897, %gather3A : vector<16xf32>
      %get3A_899 = arith.constant 512 : index
      %get3A_900 = tpu.vector_load %arg5[%get3A_899] {strides = array<i32>} : memref<4096xf32, #tpu.memory_space<vmem>>, vector<16xf32>,
      %sub3A_901 = arith.subf %get3A_900, %gather3A_65 : vector<16xf32>
      %get3A_902 = arith.constant 512 : index
      %get3A_903 = tpu.vector_load %arg6[%get3A_902] {strides = array<i32>} : memref<4096xf32, #tpu.memory_space<vmem>>, vector<16xf32>,
      %sub3A_904 = arith.subf %get3A_903, %gather3A_66 : vector<16xf32>
      %mul3A_905 = arith.mulf %sub3A_898, %sub3A_898 : vector<16xf32>
      %mul3A_906 = arith.mulf %sub3A_901, %sub3A_901 : vector<16xf32>
      %add3A_907 = arith.addf %mul3A_905, %mul3A_906 : vector<16xf32>
      %mul3A_908 = arith.mulf %sub3A_904, %sub3A_904 : vector<16xf32>
      %add3A_909 = arith.addf %add3A_907, %mul3A_908 : vector<16xf32>
      %lt3A_910 = arith.constant 4.000000e-02 : f32
      %lt3A_911 = vector.broadcast %lt3A_910 : f32 to vector<16xf32>
      %lt3A_912 = arith.cmpf olt, %add3A_909, %lt3A_911 : vector<16xf32>
      %all_reduce_population_count3A_913 = tpu.all_reduce %lt3A_912 {dim = 0 : i64, kind = #tpu.reduction_kind<sum>} : vector<16xi1> -> vector<16xi32>
      %slice3A_914 = vector.extract_strided_slice %all_reduce_population_count3A_913 {offsets = [0], sizes = [1], strides = [1]} : vector<16xi32> to vector<1xi32>
      %squeeze3A_915 = vector.extract %slice3A_914[0] : i32 from vector<1xi32>
      %get3A_916 = arith.constant 528 : index
      %get3A_917 = tpu.vector_load %arg4[%get3A_916] {strides = array<i32>} : memref<4096xf32, #tpu.memory_space<vmem>>, vector<16xf32>,
      %sub3A_918 = arith.subf %get3A_917, %gather3A : vector<16xf32>
      %get3A_919 = arith.constant 528 : index
      %get3A_920 = tpu.vector_load %arg5[%get3A_919] {strides = array<i32>} : memref<4096xf32, #tpu.memory_space<vmem>>, vector<16xf32>,
      %sub3A_921 = arith.subf %get3A_920, %gather3A_65 : vector<16xf32>
      %get3A_922 = arith.constant 528 : index
      %get3A_923 = tpu.vector_load %arg6[%get3A_922] {strides = array<i32>} : memref<4096xf32, #tpu.memory_space<vmem>>, vector<16xf32>,
      %sub3A_924 = arith.subf %get3A_923, %gather3A_66 : vector<16xf32>
      %mul3A_925 = arith.mulf %sub3A_918, %sub3A_918 : vector<16xf32>
      %mul3A_926 = arith.mulf %sub3A_921, %sub3A_921 : vector<16xf32>
      %add3A_927 = arith.addf %mul3A_925, %mul3A_926 : vector<16xf32>
      %mul3A_928 = arith.mulf %sub3A_924, %sub3A_924 : vector<16xf32>
      %add3A_929 = arith.addf %add3A_927, %mul3A_928 : vector<16xf32>
      %lt3A_930 = arith.constant 4.000000e-02 : f32
      %lt3A_931 = vector.broadcast %lt3A_930 : f32 to vector<16xf32>
      %lt3A_932 = arith.cmpf olt, %add3A_929, %lt3A_931 : vector<16xf32>
      %all_reduce_population_count3A_933 = tpu.all_reduce %lt3A_932 {dim = 0 : i64, kind = #tpu.reduction_kind<sum>} : vector<16xi1> -> vector<16xi32>
      %slice3A_934 = vector.extract_strided_slice %all_reduce_population_count3A_933 {offsets = [0], sizes = [1], strides = [1]} : vector<16xi32> to vector<1xi32>
      %squeeze3A_935 = vector.extract %slice3A_934[0] : i32 from vector<1xi32>
      %get3A_936 = arith.constant 544 : index
      %get3A_937 = tpu.vector_load %arg4[%get3A_936] {strides = array<i32>} : memref<4096xf32, #tpu.memory_space<vmem>>, vector<16xf32>,
      %sub3A_938 = arith.subf %get3A_937, %gather3A : vector<16xf32>
      %get3A_939 = arith.constant 544 : index
      %get3A_940 = tpu.vector_load %arg5[%get3A_939] {strides = array<i32>} : memref<4096xf32, #tpu.memory_space<vmem>>, vector<16xf32>,
      %sub3A_941 = arith.subf %get3A_940, %gather3A_65 : vector<16xf32>
      %get3A_942 = arith.constant 544 : index
      %get3A_943 = tpu.vector_load %arg6[%get3A_942] {strides = array<i32>} : memref<4096xf32, #tpu.memory_space<vmem>>, vector<16xf32>,
      %sub3A_944 = arith.subf %get3A_943, %gather3A_66 : vector<16xf32>
      %mul3A_945 = arith.mulf %sub3A_938, %sub3A_938 : vector<16xf32>
      %mul3A_946 = arith.mulf %sub3A_941, %sub3A_941 : vector<16xf32>
      %add3A_947 = arith.addf %mul3A_945, %mul3A_946 : vector<16xf32>
      %mul3A_948 = arith.mulf %sub3A_944, %sub3A_944 : vector<16xf32>
      %add3A_949 = arith.addf %add3A_947, %mul3A_948 : vector<16xf32>
      %lt3A_950 = arith.constant 4.000000e-02 : f32
      %lt3A_951 = vector.broadcast %lt3A_950 : f32 to vector<16xf32>
      %lt3A_952 = arith.cmpf olt, %add3A_949, %lt3A_951 : vector<16xf32>
      %all_reduce_population_count3A_953 = tpu.all_reduce %lt3A_952 {dim = 0 : i64, kind = #tpu.reduction_kind<sum>} : vector<16xi1> -> vector<16xi32>
      %slice3A_954 = vector.extract_strided_slice %all_reduce_population_count3A_953 {offsets = [0], sizes = [1], strides = [1]} : vector<16xi32> to vector<1xi32>
      %squeeze3A_955 = vector.extract %slice3A_954[0] : i32 from vector<1xi32>
      %get3A_956 = arith.constant 560 : index
      %get3A_957 = tpu.vector_load %arg4[%get3A_956] {strides = array<i32>} : memref<4096xf32, #tpu.memory_space<vmem>>, vector<16xf32>,
      %sub3A_958 = arith.subf %get3A_957, %gather3A : vector<16xf32>
      %get3A_959 = arith.constant 560 : index
      %get3A_960 = tpu.vector_load %arg5[%get3A_959] {strides = array<i32>} : memref<4096xf32, #tpu.memory_space<vmem>>, vector<16xf32>,
      %sub3A_961 = arith.subf %get3A_960, %gather3A_65 : vector<16xf32>
      %get3A_962 = arith.constant 560 : index
      %get3A_963 = tpu.vector_load %arg6[%get3A_962] {strides = array<i32>} : memref<4096xf32, #tpu.memory_space<vmem>>, vector<16xf32>,
      %sub3A_964 = arith.subf %get3A_963, %gather3A_66 : vector<16xf32>
      %mul3A_965 = arith.mulf %sub3A_958, %sub3A_958 : vector<16xf32>
      %mul3A_966 = arith.mulf %sub3A_961, %sub3A_961 : vector<16xf32>
      %add3A_967 = arith.addf %mul3A_965, %mul3A_966 : vector<16xf32>
      %mul3A_968 = arith.mulf %sub3A_964, %sub3A_964 : vector<16xf32>
      %add3A_969 = arith.addf %add3A_967, %mul3A_968 : vector<16xf32>
      %lt3A_970 = arith.constant 4.000000e-02 : f32
      %lt3A_971 = vector.broadcast %lt3A_970 : f32 to vector<16xf32>
      %lt3A_972 = arith.cmpf olt, %add3A_969, %lt3A_971 : vector<16xf32>
      %all_reduce_population_count3A_973 = tpu.all_reduce %lt3A_972 {dim = 0 : i64, kind = #tpu.reduction_kind<sum>} : vector<16xi1> -> vector<16xi32>
      %slice3A_974 = vector.extract_strided_slice %all_reduce_population_count3A_973 {offsets = [0], sizes = [1], strides = [1]} : vector<16xi32> to vector<1xi32>
      %squeeze3A_975 = vector.extract %slice3A_974[0] : i32 from vector<1xi32>
      %get3A_976 = arith.constant 576 : index
      %get3A_977 = tpu.vector_load %arg4[%get3A_976] {strides = array<i32>} : memref<4096xf32, #tpu.memory_space<vmem>>, vector<16xf32>,
      %sub3A_978 = arith.subf %get3A_977, %gather3A : vector<16xf32>
      %get3A_979 = arith.constant 576 : index
      %get3A_980 = tpu.vector_load %arg5[%get3A_979] {strides = array<i32>} : memref<4096xf32, #tpu.memory_space<vmem>>, vector<16xf32>,
      %sub3A_981 = arith.subf %get3A_980, %gather3A_65 : vector<16xf32>
      %get3A_982 = arith.constant 576 : index
      %get3A_983 = tpu.vector_load %arg6[%get3A_982] {strides = array<i32>} : memref<4096xf32, #tpu.memory_space<vmem>>, vector<16xf32>,
      %sub3A_984 = arith.subf %get3A_983, %gather3A_66 : vector<16xf32>
      %mul3A_985 = arith.mulf %sub3A_978, %sub3A_978 : vector<16xf32>
      %mul3A_986 = arith.mulf %sub3A_981, %sub3A_981 : vector<16xf32>
      %add3A_987 = arith.addf %mul3A_985, %mul3A_986 : vector<16xf32>
      %mul3A_988 = arith.mulf %sub3A_984, %sub3A_984 : vector<16xf32>
      %add3A_989 = arith.addf %add3A_987, %mul3A_988 : vector<16xf32>
      %lt3A_990 = arith.constant 4.000000e-02 : f32
      %lt3A_991 = vector.broadcast %lt3A_990 : f32 to vector<16xf32>
      %lt3A_992 = arith.cmpf olt, %add3A_989, %lt3A_991 : vector<16xf32>
      %all_reduce_population_count3A_993 = tpu.all_reduce %lt3A_992 {dim = 0 : i64, kind = #tpu.reduction_kind<sum>} : vector<16xi1> -> vector<16xi32>
      %slice3A_994 = vector.extract_strided_slice %all_reduce_population_count3A_993 {offsets = [0], sizes = [1], strides = [1]} : vector<16xi32> to vector<1xi32>
      %squeeze3A_995 = vector.extract %slice3A_994[0] : i32 from vector<1xi32>
      %get3A_996 = arith.constant 592 : index
      %get3A_997 = tpu.vector_load %arg4[%get3A_996] {strides = array<i32>} : memref<4096xf32, #tpu.memory_space<vmem>>, vector<16xf32>,
      %sub3A_998 = arith.subf %get3A_997, %gather3A : vector<16xf32>
      %get3A_999 = arith.constant 592 : index
      %get3A_1000 = tpu.vector_load %arg5[%get3A_999] {strides = array<i32>} : memref<4096xf32, #tpu.memory_space<vmem>>, vector<16xf32>,
      %sub3A_1001 = arith.subf %get3A_1000, %gather3A_65 : vector<16xf32>
      %get3A_1002 = arith.constant 592 : index
      %get3A_1003 = tpu.vector_load %arg6[%get3A_1002] {strides = array<i32>} : memref<4096xf32, #tpu.memory_space<vmem>>, vector<16xf32>,
      %sub3A_1004 = arith.subf %get3A_1003, %gather3A_66 : vector<16xf32>
      %mul3A_1005 = arith.mulf %sub3A_998, %sub3A_998 : vector<16xf32>
      %mul3A_1006 = arith.mulf %sub3A_1001, %sub3A_1001 : vector<16xf32>
      %add3A_1007 = arith.addf %mul3A_1005, %mul3A_1006 : vector<16xf32>
      %mul3A_1008 = arith.mulf %sub3A_1004, %sub3A_1004 : vector<16xf32>
      %add3A_1009 = arith.addf %add3A_1007, %mul3A_1008 : vector<16xf32>
      %lt3A_1010 = arith.constant 4.000000e-02 : f32
      %lt3A_1011 = vector.broadcast %lt3A_1010 : f32 to vector<16xf32>
      %lt3A_1012 = arith.cmpf olt, %add3A_1009, %lt3A_1011 : vector<16xf32>
      %all_reduce_population_count3A_1013 = tpu.all_reduce %lt3A_1012 {dim = 0 : i64, kind = #tpu.reduction_kind<sum>} : vector<16xi1> -> vector<16xi32>
      %slice3A_1014 = vector.extract_strided_slice %all_reduce_population_count3A_1013 {offsets = [0], sizes = [1], strides = [1]} : vector<16xi32> to vector<1xi32>
      %squeeze3A_1015 = vector.extract %slice3A_1014[0] : i32 from vector<1xi32>
      %get3A_1016 = arith.constant 608 : index
      %get3A_1017 = tpu.vector_load %arg4[%get3A_1016] {strides = array<i32>} : memref<4096xf32, #tpu.memory_space<vmem>>, vector<16xf32>,
      %sub3A_1018 = arith.subf %get3A_1017, %gather3A : vector<16xf32>
      %get3A_1019 = arith.constant 608 : index
      %get3A_1020 = tpu.vector_load %arg5[%get3A_1019] {strides = array<i32>} : memref<4096xf32, #tpu.memory_space<vmem>>, vector<16xf32>,
      %sub3A_1021 = arith.subf %get3A_1020, %gather3A_65 : vector<16xf32>
      %get3A_1022 = arith.constant 608 : index
      %get3A_1023 = tpu.vector_load %arg6[%get3A_1022] {strides = array<i32>} : memref<4096xf32, #tpu.memory_space<vmem>>, vector<16xf32>,
      %sub3A_1024 = arith.subf %get3A_1023, %gather3A_66 : vector<16xf32>
      %mul3A_1025 = arith.mulf %sub3A_1018, %sub3A_1018 : vector<16xf32>
      %mul3A_1026 = arith.mulf %sub3A_1021, %sub3A_1021 : vector<16xf32>
      %add3A_1027 = arith.addf %mul3A_1025, %mul3A_1026 : vector<16xf32>
      %mul3A_1028 = arith.mulf %sub3A_1024, %sub3A_1024 : vector<16xf32>
      %add3A_1029 = arith.addf %add3A_1027, %mul3A_1028 : vector<16xf32>
      %lt3A_1030 = arith.constant 4.000000e-02 : f32
      %lt3A_1031 = vector.broadcast %lt3A_1030 : f32 to vector<16xf32>
      %lt3A_1032 = arith.cmpf olt, %add3A_1029, %lt3A_1031 : vector<16xf32>
      %all_reduce_population_count3A_1033 = tpu.all_reduce %lt3A_1032 {dim = 0 : i64, kind = #tpu.reduction_kind<sum>} : vector<16xi1> -> vector<16xi32>
      %slice3A_1034 = vector.extract_strided_slice %all_reduce_population_count3A_1033 {offsets = [0], sizes = [1], strides = [1]} : vector<16xi32> to vector<1xi32>
      %squeeze3A_1035 = vector.extract %slice3A_1034[0] : i32 from vector<1xi32>
      %get3A_1036 = arith.constant 624 : index
      %get3A_1037 = tpu.vector_load %arg4[%get3A_1036] {strides = array<i32>} : memref<4096xf32, #tpu.memory_space<vmem>>, vector<16xf32>,
      %sub3A_1038 = arith.subf %get3A_1037, %gather3A : vector<16xf32>
      %get3A_1039 = arith.constant 624 : index
      %get3A_1040 = tpu.vector_load %arg5[%get3A_1039] {strides = array<i32>} : memref<4096xf32, #tpu.memory_space<vmem>>, vector<16xf32>,
      %sub3A_1041 = arith.subf %get3A_1040, %gather3A_65 : vector<16xf32>
      %get3A_1042 = arith.constant 624 : index
      %get3A_1043 = tpu.vector_load %arg6[%get3A_1042] {strides = array<i32>} : memref<4096xf32, #tpu.memory_space<vmem>>, vector<16xf32>,
      %sub3A_1044 = arith.subf %get3A_1043, %gather3A_66 : vector<16xf32>
      %mul3A_1045 = arith.mulf %sub3A_1038, %sub3A_1038 : vector<16xf32>
      %mul3A_1046 = arith.mulf %sub3A_1041, %sub3A_1041 : vector<16xf32>
      %add3A_1047 = arith.addf %mul3A_1045, %mul3A_1046 : vector<16xf32>
      %mul3A_1048 = arith.mulf %sub3A_1044, %sub3A_1044 : vector<16xf32>
      %add3A_1049 = arith.addf %add3A_1047, %mul3A_1048 : vector<16xf32>
      %lt3A_1050 = arith.constant 4.000000e-02 : f32
      %lt3A_1051 = vector.broadcast %lt3A_1050 : f32 to vector<16xf32>
      %lt3A_1052 = arith.cmpf olt, %add3A_1049, %lt3A_1051 : vector<16xf32>
      %all_reduce_population_count3A_1053 = tpu.all_reduce %lt3A_1052 {dim = 0 : i64, kind = #tpu.reduction_kind<sum>} : vector<16xi1> -> vector<16xi32>
      %slice3A_1054 = vector.extract_strided_slice %all_reduce_population_count3A_1053 {offsets = [0], sizes = [1], strides = [1]} : vector<16xi32> to vector<1xi32>
      %squeeze3A_1055 = vector.extract %slice3A_1054[0] : i32 from vector<1xi32>
      %get3A_1056 = arith.constant 640 : index
      %get3A_1057 = tpu.vector_load %arg4[%get3A_1056] {strides = array<i32>} : memref<4096xf32, #tpu.memory_space<vmem>>, vector<16xf32>,
      %sub3A_1058 = arith.subf %get3A_1057, %gather3A : vector<16xf32>
      %get3A_1059 = arith.constant 640 : index
      %get3A_1060 = tpu.vector_load %arg5[%get3A_1059] {strides = array<i32>} : memref<4096xf32, #tpu.memory_space<vmem>>, vector<16xf32>,
      %sub3A_1061 = arith.subf %get3A_1060, %gather3A_65 : vector<16xf32>
      %get3A_1062 = arith.constant 640 : index
      %get3A_1063 = tpu.vector_load %arg6[%get3A_1062] {strides = array<i32>} : memref<4096xf32, #tpu.memory_space<vmem>>, vector<16xf32>,
      %sub3A_1064 = arith.subf %get3A_1063, %gather3A_66 : vector<16xf32>
      %mul3A_1065 = arith.mulf %sub3A_1058, %sub3A_1058 : vector<16xf32>
      %mul3A_1066 = arith.mulf %sub3A_1061, %sub3A_1061 : vector<16xf32>
      %add3A_1067 = arith.addf %mul3A_1065, %mul3A_1066 : vector<16xf32>
      %mul3A_1068 = arith.mulf %sub3A_1064, %sub3A_1064 : vector<16xf32>
      %add3A_1069 = arith.addf %add3A_1067, %mul3A_1068 : vector<16xf32>
      %lt3A_1070 = arith.constant 4.000000e-02 : f32
      %lt3A_1071 = vector.broadcast %lt3A_1070 : f32 to vector<16xf32>
      %lt3A_1072 = arith.cmpf olt, %add3A_1069, %lt3A_1071 : vector<16xf32>
      %all_reduce_population_count3A_1073 = tpu.all_reduce %lt3A_1072 {dim = 0 : i64, kind = #tpu.reduction_kind<sum>} : vector<16xi1> -> vector<16xi32>
      %slice3A_1074 = vector.extract_strided_slice %all_reduce_population_count3A_1073 {offsets = [0], sizes = [1], strides = [1]} : vector<16xi32> to vector<1xi32>
      %squeeze3A_1075 = vector.extract %slice3A_1074[0] : i32 from vector<1xi32>
      %get3A_1076 = arith.constant 656 : index
      %get3A_1077 = tpu.vector_load %arg4[%get3A_1076] {strides = array<i32>} : memref<4096xf32, #tpu.memory_space<vmem>>, vector<16xf32>,
      %sub3A_1078 = arith.subf %get3A_1077, %gather3A : vector<16xf32>
      %get3A_1079 = arith.constant 656 : index
      %get3A_1080 = tpu.vector_load %arg5[%get3A_1079] {strides = array<i32>} : memref<4096xf32, #tpu.memory_space<vmem>>, vector<16xf32>,
      %sub3A_1081 = arith.subf %get3A_1080, %gather3A_65 : vector<16xf32>
      %get3A_1082 = arith.constant 656 : index
      %get3A_1083 = tpu.vector_load %arg6[%get3A_1082] {strides = array<i32>} : memref<4096xf32, #tpu.memory_space<vmem>>, vector<16xf32>,
      %sub3A_1084 = arith.subf %get3A_1083, %gather3A_66 : vector<16xf32>
      %mul3A_1085 = arith.mulf %sub3A_1078, %sub3A_1078 : vector<16xf32>
      %mul3A_1086 = arith.mulf %sub3A_1081, %sub3A_1081 : vector<16xf32>
      %add3A_1087 = arith.addf %mul3A_1085, %mul3A_1086 : vector<16xf32>
      %mul3A_1088 = arith.mulf %sub3A_1084, %sub3A_1084 : vector<16xf32>
      %add3A_1089 = arith.addf %add3A_1087, %mul3A_1088 : vector<16xf32>
      %lt3A_1090 = arith.constant 4.000000e-02 : f32
      %lt3A_1091 = vector.broadcast %lt3A_1090 : f32 to vector<16xf32>
      %lt3A_1092 = arith.cmpf olt, %add3A_1089, %lt3A_1091 : vector<16xf32>
      %all_reduce_population_count3A_1093 = tpu.all_reduce %lt3A_1092 {dim = 0 : i64, kind = #tpu.reduction_kind<sum>} : vector<16xi1> -> vector<16xi32>
      %slice3A_1094 = vector.extract_strided_slice %all_reduce_population_count3A_1093 {offsets = [0], sizes = [1], strides = [1]} : vector<16xi32> to vector<1xi32>
      %squeeze3A_1095 = vector.extract %slice3A_1094[0] : i32 from vector<1xi32>
      %get3A_1096 = arith.constant 672 : index
      %get3A_1097 = tpu.vector_load %arg4[%get3A_1096] {strides = array<i32>} : memref<4096xf32, #tpu.memory_space<vmem>>, vector<16xf32>,
      %sub3A_1098 = arith.subf %get3A_1097, %gather3A : vector<16xf32>
      %get3A_1099 = arith.constant 672 : index
      %get3A_1100 = tpu.vector_load %arg5[%get3A_1099] {strides = array<i32>} : memref<4096xf32, #tpu.memory_space<vmem>>, vector<16xf32>,
      %sub3A_1101 = arith.subf %get3A_1100, %gather3A_65 : vector<16xf32>
      %get3A_1102 = arith.constant 672 : index
      %get3A_1103 = tpu.vector_load %arg6[%get3A_1102] {strides = array<i32>} : memref<4096xf32, #tpu.memory_space<vmem>>, vector<16xf32>,
      %sub3A_1104 = arith.subf %get3A_1103, %gather3A_66 : vector<16xf32>
      %mul3A_1105 = arith.mulf %sub3A_1098, %sub3A_1098 : vector<16xf32>
      %mul3A_1106 = arith.mulf %sub3A_1101, %sub3A_1101 : vector<16xf32>
      %add3A_1107 = arith.addf %mul3A_1105, %mul3A_1106 : vector<16xf32>
      %mul3A_1108 = arith.mulf %sub3A_1104, %sub3A_1104 : vector<16xf32>
      %add3A_1109 = arith.addf %add3A_1107, %mul3A_1108 : vector<16xf32>
      %lt3A_1110 = arith.constant 4.000000e-02 : f32
      %lt3A_1111 = vector.broadcast %lt3A_1110 : f32 to vector<16xf32>
      %lt3A_1112 = arith.cmpf olt, %add3A_1109, %lt3A_1111 : vector<16xf32>
      %all_reduce_population_count3A_1113 = tpu.all_reduce %lt3A_1112 {dim = 0 : i64, kind = #tpu.reduction_kind<sum>} : vector<16xi1> -> vector<16xi32>
      %slice3A_1114 = vector.extract_strided_slice %all_reduce_population_count3A_1113 {offsets = [0], sizes = [1], strides = [1]} : vector<16xi32> to vector<1xi32>
      %squeeze3A_1115 = vector.extract %slice3A_1114[0] : i32 from vector<1xi32>
      %get3A_1116 = arith.constant 688 : index
      %get3A_1117 = tpu.vector_load %arg4[%get3A_1116] {strides = array<i32>} : memref<4096xf32, #tpu.memory_space<vmem>>, vector<16xf32>,
      %sub3A_1118 = arith.subf %get3A_1117, %gather3A : vector<16xf32>
      %get3A_1119 = arith.constant 688 : index
      %get3A_1120 = tpu.vector_load %arg5[%get3A_1119] {strides = array<i32>} : memref<4096xf32, #tpu.memory_space<vmem>>, vector<16xf32>,
      %sub3A_1121 = arith.subf %get3A_1120, %gather3A_65 : vector<16xf32>
      %get3A_1122 = arith.constant 688 : index
      %get3A_1123 = tpu.vector_load %arg6[%get3A_1122] {strides = array<i32>} : memref<4096xf32, #tpu.memory_space<vmem>>, vector<16xf32>,
      %sub3A_1124 = arith.subf %get3A_1123, %gather3A_66 : vector<16xf32>
      %mul3A_1125 = arith.mulf %sub3A_1118, %sub3A_1118 : vector<16xf32>
      %mul3A_1126 = arith.mulf %sub3A_1121, %sub3A_1121 : vector<16xf32>
      %add3A_1127 = arith.addf %mul3A_1125, %mul3A_1126 : vector<16xf32>
      %mul3A_1128 = arith.mulf %sub3A_1124, %sub3A_1124 : vector<16xf32>
      %add3A_1129 = arith.addf %add3A_1127, %mul3A_1128 : vector<16xf32>
      %lt3A_1130 = arith.constant 4.000000e-02 : f32
      %lt3A_1131 = vector.broadcast %lt3A_1130 : f32 to vector<16xf32>
      %lt3A_1132 = arith.cmpf olt, %add3A_1129, %lt3A_1131 : vector<16xf32>
      %all_reduce_population_count3A_1133 = tpu.all_reduce %lt3A_1132 {dim = 0 : i64, kind = #tpu.reduction_kind<sum>} : vector<16xi1> -> vector<16xi32>
      %slice3A_1134 = vector.extract_strided_slice %all_reduce_population_count3A_1133 {offsets = [0], sizes = [1], strides = [1]} : vector<16xi32> to vector<1xi32>
      %squeeze3A_1135 = vector.extract %slice3A_1134[0] : i32 from vector<1xi32>
      %get3A_1136 = arith.constant 704 : index
      %get3A_1137 = tpu.vector_load %arg4[%get3A_1136] {strides = array<i32>} : memref<4096xf32, #tpu.memory_space<vmem>>, vector<16xf32>,
      %sub3A_1138 = arith.subf %get3A_1137, %gather3A : vector<16xf32>
      %get3A_1139 = arith.constant 704 : index
      %get3A_1140 = tpu.vector_load %arg5[%get3A_1139] {strides = array<i32>} : memref<4096xf32, #tpu.memory_space<vmem>>, vector<16xf32>,
      %sub3A_1141 = arith.subf %get3A_1140, %gather3A_65 : vector<16xf32>
      %get3A_1142 = arith.constant 704 : index
      %get3A_1143 = tpu.vector_load %arg6[%get3A_1142] {strides = array<i32>} : memref<4096xf32, #tpu.memory_space<vmem>>, vector<16xf32>,
      %sub3A_1144 = arith.subf %get3A_1143, %gather3A_66 : vector<16xf32>
      %mul3A_1145 = arith.mulf %sub3A_1138, %sub3A_1138 : vector<16xf32>
      %mul3A_1146 = arith.mulf %sub3A_1141, %sub3A_1141 : vector<16xf32>
      %add3A_1147 = arith.addf %mul3A_1145, %mul3A_1146 : vector<16xf32>
      %mul3A_1148 = arith.mulf %sub3A_1144, %sub3A_1144 : vector<16xf32>
      %add3A_1149 = arith.addf %add3A_1147, %mul3A_1148 : vector<16xf32>
      %lt3A_1150 = arith.constant 4.000000e-02 : f32
      %lt3A_1151 = vector.broadcast %lt3A_1150 : f32 to vector<16xf32>
      %lt3A_1152 = arith.cmpf olt, %add3A_1149, %lt3A_1151 : vector<16xf32>
      %all_reduce_population_count3A_1153 = tpu.all_reduce %lt3A_1152 {dim = 0 : i64, kind = #tpu.reduction_kind<sum>} : vector<16xi1> -> vector<16xi32>
      %slice3A_1154 = vector.extract_strided_slice %all_reduce_population_count3A_1153 {offsets = [0], sizes = [1], strides = [1]} : vector<16xi32> to vector<1xi32>
      %squeeze3A_1155 = vector.extract %slice3A_1154[0] : i32 from vector<1xi32>
      %get3A_1156 = arith.constant 720 : index
      %get3A_1157 = tpu.vector_load %arg4[%get3A_1156] {strides = array<i32>} : memref<4096xf32, #tpu.memory_space<vmem>>, vector<16xf32>,
      %sub3A_1158 = arith.subf %get3A_1157, %gather3A : vector<16xf32>
      %get3A_1159 = arith.constant 720 : index
      %get3A_1160 = tpu.vector_load %arg5[%get3A_1159] {strides = array<i32>} : memref<4096xf32, #tpu.memory_space<vmem>>, vector<16xf32>,
      %sub3A_1161 = arith.subf %get3A_1160, %gather3A_65 : vector<16xf32>
      %get3A_1162 = arith.constant 720 : index
      %get3A_1163 = tpu.vector_load %arg6[%get3A_1162] {strides = array<i32>} : memref<4096xf32, #tpu.memory_space<vmem>>, vector<16xf32>,
      %sub3A_1164 = arith.subf %get3A_1163, %gather3A_66 : vector<16xf32>
      %mul3A_1165 = arith.mulf %sub3A_1158, %sub3A_1158 : vector<16xf32>
      %mul3A_1166 = arith.mulf %sub3A_1161, %sub3A_1161 : vector<16xf32>
      %add3A_1167 = arith.addf %mul3A_1165, %mul3A_1166 : vector<16xf32>
      %mul3A_1168 = arith.mulf %sub3A_1164, %sub3A_1164 : vector<16xf32>
      %add3A_1169 = arith.addf %add3A_1167, %mul3A_1168 : vector<16xf32>
      %lt3A_1170 = arith.constant 4.000000e-02 : f32
      %lt3A_1171 = vector.broadcast %lt3A_1170 : f32 to vector<16xf32>
      %lt3A_1172 = arith.cmpf olt, %add3A_1169, %lt3A_1171 : vector<16xf32>
      %all_reduce_population_count3A_1173 = tpu.all_reduce %lt3A_1172 {dim = 0 : i64, kind = #tpu.reduction_kind<sum>} : vector<16xi1> -> vector<16xi32>
      %slice3A_1174 = vector.extract_strided_slice %all_reduce_population_count3A_1173 {offsets = [0], sizes = [1], strides = [1]} : vector<16xi32> to vector<1xi32>
      %squeeze3A_1175 = vector.extract %slice3A_1174[0] : i32 from vector<1xi32>
      %get3A_1176 = arith.constant 736 : index
      %get3A_1177 = tpu.vector_load %arg4[%get3A_1176] {strides = array<i32>} : memref<4096xf32, #tpu.memory_space<vmem>>, vector<16xf32>,
      %sub3A_1178 = arith.subf %get3A_1177, %gather3A : vector<16xf32>
      %get3A_1179 = arith.constant 736 : index
      %get3A_1180 = tpu.vector_load %arg5[%get3A_1179] {strides = array<i32>} : memref<4096xf32, #tpu.memory_space<vmem>>, vector<16xf32>,
      %sub3A_1181 = arith.subf %get3A_1180, %gather3A_65 : vector<16xf32>
      %get3A_1182 = arith.constant 736 : index
      %get3A_1183 = tpu.vector_load %arg6[%get3A_1182] {strides = array<i32>} : memref<4096xf32, #tpu.memory_space<vmem>>, vector<16xf32>,
      %sub3A_1184 = arith.subf %get3A_1183, %gather3A_66 : vector<16xf32>
      %mul3A_1185 = arith.mulf %sub3A_1178, %sub3A_1178 : vector<16xf32>
      %mul3A_1186 = arith.mulf %sub3A_1181, %sub3A_1181 : vector<16xf32>
      %add3A_1187 = arith.addf %mul3A_1185, %mul3A_1186 : vector<16xf32>
      %mul3A_1188 = arith.mulf %sub3A_1184, %sub3A_1184 : vector<16xf32>
      %add3A_1189 = arith.addf %add3A_1187, %mul3A_1188 : vector<16xf32>
      %lt3A_1190 = arith.constant 4.000000e-02 : f32
      %lt3A_1191 = vector.broadcast %lt3A_1190 : f32 to vector<16xf32>
      %lt3A_1192 = arith.cmpf olt, %add3A_1189, %lt3A_1191 : vector<16xf32>
      %all_reduce_population_count3A_1193 = tpu.all_reduce %lt3A_1192 {dim = 0 : i64, kind = #tpu.reduction_kind<sum>} : vector<16xi1> -> vector<16xi32>
      %slice3A_1194 = vector.extract_strided_slice %all_reduce_population_count3A_1193 {offsets = [0], sizes = [1], strides = [1]} : vector<16xi32> to vector<1xi32>
      %squeeze3A_1195 = vector.extract %slice3A_1194[0] : i32 from vector<1xi32>
      %get3A_1196 = arith.constant 752 : index
      %get3A_1197 = tpu.vector_load %arg4[%get3A_1196] {strides = array<i32>} : memref<4096xf32, #tpu.memory_space<vmem>>, vector<16xf32>,
      %sub3A_1198 = arith.subf %get3A_1197, %gather3A : vector<16xf32>
      %get3A_1199 = arith.constant 752 : index
      %get3A_1200 = tpu.vector_load %arg5[%get3A_1199] {strides = array<i32>} : memref<4096xf32, #tpu.memory_space<vmem>>, vector<16xf32>,
      %sub3A_1201 = arith.subf %get3A_1200, %gather3A_65 : vector<16xf32>
      %get3A_1202 = arith.constant 752 : index
      %get3A_1203 = tpu.vector_load %arg6[%get3A_1202] {strides = array<i32>} : memref<4096xf32, #tpu.memory_space<vmem>>, vector<16xf32>,
      %sub3A_1204 = arith.subf %get3A_1203, %gather3A_66 : vector<16xf32>
      %mul3A_1205 = arith.mulf %sub3A_1198, %sub3A_1198 : vector<16xf32>
      %mul3A_1206 = arith.mulf %sub3A_1201, %sub3A_1201 : vector<16xf32>
      %add3A_1207 = arith.addf %mul3A_1205, %mul3A_1206 : vector<16xf32>
      %mul3A_1208 = arith.mulf %sub3A_1204, %sub3A_1204 : vector<16xf32>
      %add3A_1209 = arith.addf %add3A_1207, %mul3A_1208 : vector<16xf32>
      %lt3A_1210 = arith.constant 4.000000e-02 : f32
      %lt3A_1211 = vector.broadcast %lt3A_1210 : f32 to vector<16xf32>
      %lt3A_1212 = arith.cmpf olt, %add3A_1209, %lt3A_1211 : vector<16xf32>
      %all_reduce_population_count3A_1213 = tpu.all_reduce %lt3A_1212 {dim = 0 : i64, kind = #tpu.reduction_kind<sum>} : vector<16xi1> -> vector<16xi32>
      %slice3A_1214 = vector.extract_strided_slice %all_reduce_population_count3A_1213 {offsets = [0], sizes = [1], strides = [1]} : vector<16xi32> to vector<1xi32>
      %squeeze3A_1215 = vector.extract %slice3A_1214[0] : i32 from vector<1xi32>
      %add3A_1216 = arith.constant 512 : i32
      %add3A_1217 = vector.broadcast %add3A_1216 : i32 to vector<16xi32>
      %add3A_1218 = arith.addi %iota3A, %add3A_1217 : vector<16xi32>
      %swap3A_1219 = arith.index_cast %add3A_895 : i32 to index
      %swap3A_1220 = tpu.vector_load %arg7[%swap3A_1219] masked %lt3A_912 {strides = array<i32>} : memref<1024xi32, #tpu.memory_space<vmem>>, vector<16xi32>, vector<16xi1>
      tpu.vector_store %arg7[%swap3A_1219], %add3A_1218 masked %lt3A_912 {strides = array<i32>} : memref<1024xi32, #tpu.memory_space<vmem>>, vector<16xi32>, vector<16xi1>
      %add3A_1221 = arith.addi %add3A_895, %squeeze3A_915 : i32
      %add3A_1222 = arith.constant 528 : i32
      %add3A_1223 = vector.broadcast %add3A_1222 : i32 to vector<16xi32>
      %add3A_1224 = arith.addi %iota3A, %add3A_1223 : vector<16xi32>
      %swap3A_1225 = arith.index_cast %add3A_1221 : i32 to index
      %swap3A_1226 = tpu.vector_load %arg7[%swap3A_1225] masked %lt3A_932 {strides = array<i32>} : memref<1024xi32, #tpu.memory_space<vmem>>, vector<16xi32>, vector<16xi1>
      tpu.vector_store %arg7[%swap3A_1225], %add3A_1224 masked %lt3A_932 {strides = array<i32>} : memref<1024xi32, #tpu.memory_space<vmem>>, vector<16xi32>, vector<16xi1>
      %add3A_1227 = arith.addi %add3A_1221, %squeeze3A_935 : i32
      %add3A_1228 = arith.constant 544 : i32
      %add3A_1229 = vector.broadcast %add3A_1228 : i32 to vector<16xi32>
      %add3A_1230 = arith.addi %iota3A, %add3A_1229 : vector<16xi32>
      %swap3A_1231 = arith.index_cast %add3A_1227 : i32 to index
      %swap3A_1232 = tpu.vector_load %arg7[%swap3A_1231] masked %lt3A_952 {strides = array<i32>} : memref<1024xi32, #tpu.memory_space<vmem>>, vector<16xi32>, vector<16xi1>
      tpu.vector_store %arg7[%swap3A_1231], %add3A_1230 masked %lt3A_952 {strides = array<i32>} : memref<1024xi32, #tpu.memory_space<vmem>>, vector<16xi32>, vector<16xi1>
      %add3A_1233 = arith.addi %add3A_1227, %squeeze3A_955 : i32
      %add3A_1234 = arith.constant 560 : i32
      %add3A_1235 = vector.broadcast %add3A_1234 : i32 to vector<16xi32>
      %add3A_1236 = arith.addi %iota3A, %add3A_1235 : vector<16xi32>
      %swap3A_1237 = arith.index_cast %add3A_1233 : i32 to index
      %swap3A_1238 = tpu.vector_load %arg7[%swap3A_1237] masked %lt3A_972 {strides = array<i32>} : memref<1024xi32, #tpu.memory_space<vmem>>, vector<16xi32>, vector<16xi1>
      tpu.vector_store %arg7[%swap3A_1237], %add3A_1236 masked %lt3A_972 {strides = array<i32>} : memref<1024xi32, #tpu.memory_space<vmem>>, vector<16xi32>, vector<16xi1>
      %add3A_1239 = arith.addi %add3A_1233, %squeeze3A_975 : i32
      %add3A_1240 = arith.constant 576 : i32
      %add3A_1241 = vector.broadcast %add3A_1240 : i32 to vector<16xi32>
      %add3A_1242 = arith.addi %iota3A, %add3A_1241 : vector<16xi32>
      %swap3A_1243 = arith.index_cast %add3A_1239 : i32 to index
      %swap3A_1244 = tpu.vector_load %arg7[%swap3A_1243] masked %lt3A_992 {strides = array<i32>} : memref<1024xi32, #tpu.memory_space<vmem>>, vector<16xi32>, vector<16xi1>
      tpu.vector_store %arg7[%swap3A_1243], %add3A_1242 masked %lt3A_992 {strides = array<i32>} : memref<1024xi32, #tpu.memory_space<vmem>>, vector<16xi32>, vector<16xi1>
      %add3A_1245 = arith.addi %add3A_1239, %squeeze3A_995 : i32
      %add3A_1246 = arith.constant 592 : i32
      %add3A_1247 = vector.broadcast %add3A_1246 : i32 to vector<16xi32>
      %add3A_1248 = arith.addi %iota3A, %add3A_1247 : vector<16xi32>
      %swap3A_1249 = arith.index_cast %add3A_1245 : i32 to index
      %swap3A_1250 = tpu.vector_load %arg7[%swap3A_1249] masked %lt3A_1012 {strides = array<i32>} : memref<1024xi32, #tpu.memory_space<vmem>>, vector<16xi32>, vector<16xi1>
      tpu.vector_store %arg7[%swap3A_1249], %add3A_1248 masked %lt3A_1012 {strides = array<i32>} : memref<1024xi32, #tpu.memory_space<vmem>>, vector<16xi32>, vector<16xi1>
      %add3A_1251 = arith.addi %add3A_1245, %squeeze3A_1015 : i32
      %add3A_1252 = arith.constant 608 : i32
      %add3A_1253 = vector.broadcast %add3A_1252 : i32 to vector<16xi32>
      %add3A_1254 = arith.addi %iota3A, %add3A_1253 : vector<16xi32>
      %swap3A_1255 = arith.index_cast %add3A_1251 : i32 to index
      %swap3A_1256 = tpu.vector_load %arg7[%swap3A_1255] masked %lt3A_1032 {strides = array<i32>} : memref<1024xi32, #tpu.memory_space<vmem>>, vector<16xi32>, vector<16xi1>
      tpu.vector_store %arg7[%swap3A_1255], %add3A_1254 masked %lt3A_1032 {strides = array<i32>} : memref<1024xi32, #tpu.memory_space<vmem>>, vector<16xi32>, vector<16xi1>
      %add3A_1257 = arith.addi %add3A_1251, %squeeze3A_1035 : i32
      %add3A_1258 = arith.constant 624 : i32
      %add3A_1259 = vector.broadcast %add3A_1258 : i32 to vector<16xi32>
      %add3A_1260 = arith.addi %iota3A, %add3A_1259 : vector<16xi32>
      %swap3A_1261 = arith.index_cast %add3A_1257 : i32 to index
      %swap3A_1262 = tpu.vector_load %arg7[%swap3A_1261] masked %lt3A_1052 {strides = array<i32>} : memref<1024xi32, #tpu.memory_space<vmem>>, vector<16xi32>, vector<16xi1>
      tpu.vector_store %arg7[%swap3A_1261], %add3A_1260 masked %lt3A_1052 {strides = array<i32>} : memref<1024xi32, #tpu.memory_space<vmem>>, vector<16xi32>, vector<16xi1>
      %add3A_1263 = arith.addi %add3A_1257, %squeeze3A_1055 : i32
      %add3A_1264 = arith.constant 640 : i32
      %add3A_1265 = vector.broadcast %add3A_1264 : i32 to vector<16xi32>
      %add3A_1266 = arith.addi %iota3A, %add3A_1265 : vector<16xi32>
      %swap3A_1267 = arith.index_cast %add3A_1263 : i32 to index
      %swap3A_1268 = tpu.vector_load %arg7[%swap3A_1267] masked %lt3A_1072 {strides = array<i32>} : memref<1024xi32, #tpu.memory_space<vmem>>, vector<16xi32>, vector<16xi1>
      tpu.vector_store %arg7[%swap3A_1267], %add3A_1266 masked %lt3A_1072 {strides = array<i32>} : memref<1024xi32, #tpu.memory_space<vmem>>, vector<16xi32>, vector<16xi1>
      %add3A_1269 = arith.addi %add3A_1263, %squeeze3A_1075 : i32
      %add3A_1270 = arith.constant 656 : i32
      %add3A_1271 = vector.broadcast %add3A_1270 : i32 to vector<16xi32>
      %add3A_1272 = arith.addi %iota3A, %add3A_1271 : vector<16xi32>
      %swap3A_1273 = arith.index_cast %add3A_1269 : i32 to index
      %swap3A_1274 = tpu.vector_load %arg7[%swap3A_1273] masked %lt3A_1092 {strides = array<i32>} : memref<1024xi32, #tpu.memory_space<vmem>>, vector<16xi32>, vector<16xi1>
      tpu.vector_store %arg7[%swap3A_1273], %add3A_1272 masked %lt3A_1092 {strides = array<i32>} : memref<1024xi32, #tpu.memory_space<vmem>>, vector<16xi32>, vector<16xi1>
      %add3A_1275 = arith.addi %add3A_1269, %squeeze3A_1095 : i32
      %add3A_1276 = arith.constant 672 : i32
      %add3A_1277 = vector.broadcast %add3A_1276 : i32 to vector<16xi32>
      %add3A_1278 = arith.addi %iota3A, %add3A_1277 : vector<16xi32>
      %swap3A_1279 = arith.index_cast %add3A_1275 : i32 to index
      %swap3A_1280 = tpu.vector_load %arg7[%swap3A_1279] masked %lt3A_1112 {strides = array<i32>} : memref<1024xi32, #tpu.memory_space<vmem>>, vector<16xi32>, vector<16xi1>
      tpu.vector_store %arg7[%swap3A_1279], %add3A_1278 masked %lt3A_1112 {strides = array<i32>} : memref<1024xi32, #tpu.memory_space<vmem>>, vector<16xi32>, vector<16xi1>
      %add3A_1281 = arith.addi %add3A_1275, %squeeze3A_1115 : i32
      %add3A_1282 = arith.constant 688 : i32
      %add3A_1283 = vector.broadcast %add3A_1282 : i32 to vector<16xi32>
      %add3A_1284 = arith.addi %iota3A, %add3A_1283 : vector<16xi32>
      %swap3A_1285 = arith.index_cast %add3A_1281 : i32 to index
      %swap3A_1286 = tpu.vector_load %arg7[%swap3A_1285] masked %lt3A_1132 {strides = array<i32>} : memref<1024xi32, #tpu.memory_space<vmem>>, vector<16xi32>, vector<16xi1>
      tpu.vector_store %arg7[%swap3A_1285], %add3A_1284 masked %lt3A_1132 {strides = array<i32>} : memref<1024xi32, #tpu.memory_space<vmem>>, vector<16xi32>, vector<16xi1>
      %add3A_1287 = arith.addi %add3A_1281, %squeeze3A_1135 : i32
      %add3A_1288 = arith.constant 704 : i32
      %add3A_1289 = vector.broadcast %add3A_1288 : i32 to vector<16xi32>
      %add3A_1290 = arith.addi %iota3A, %add3A_1289 : vector<16xi32>
      %swap3A_1291 = arith.index_cast %add3A_1287 : i32 to index
      %swap3A_1292 = tpu.vector_load %arg7[%swap3A_1291] masked %lt3A_1152 {strides = array<i32>} : memref<1024xi32, #tpu.memory_space<vmem>>, vector<16xi32>, vector<16xi1>
      tpu.vector_store %arg7[%swap3A_1291], %add3A_1290 masked %lt3A_1152 {strides = array<i32>} : memref<1024xi32, #tpu.memory_space<vmem>>, vector<16xi32>, vector<16xi1>
      %add3A_1293 = arith.addi %add3A_1287, %squeeze3A_1155 : i32
      %add3A_1294 = arith.constant 720 : i32
      %add3A_1295 = vector.broadcast %add3A_1294 : i32 to vector<16xi32>
      %add3A_1296 = arith.addi %iota3A, %add3A_1295 : vector<16xi32>
      %swap3A_1297 = arith.index_cast %add3A_1293 : i32 to index
      %swap3A_1298 = tpu.vector_load %arg7[%swap3A_1297] masked %lt3A_1172 {strides = array<i32>} : memref<1024xi32, #tpu.memory_space<vmem>>, vector<16xi32>, vector<16xi1>
      tpu.vector_store %arg7[%swap3A_1297], %add3A_1296 masked %lt3A_1172 {strides = array<i32>} : memref<1024xi32, #tpu.memory_space<vmem>>, vector<16xi32>, vector<16xi1>
      %add3A_1299 = arith.addi %add3A_1293, %squeeze3A_1175 : i32
      %add3A_1300 = arith.constant 736 : i32
      %add3A_1301 = vector.broadcast %add3A_1300 : i32 to vector<16xi32>
      %add3A_1302 = arith.addi %iota3A, %add3A_1301 : vector<16xi32>
      %swap3A_1303 = arith.index_cast %add3A_1299 : i32 to index
      %swap3A_1304 = tpu.vector_load %arg7[%swap3A_1303] masked %lt3A_1192 {strides = array<i32>} : memref<1024xi32, #tpu.memory_space<vmem>>, vector<16xi32>, vector<16xi1>
      tpu.vector_store %arg7[%swap3A_1303], %add3A_1302 masked %lt3A_1192 {strides = array<i32>} : memref<1024xi32, #tpu.memory_space<vmem>>, vector<16xi32>, vector<16xi1>
      %add3A_1305 = arith.addi %add3A_1299, %squeeze3A_1195 : i32
      %add3A_1306 = arith.constant 752 : i32
      %add3A_1307 = vector.broadcast %add3A_1306 : i32 to vector<16xi32>
      %add3A_1308 = arith.addi %iota3A, %add3A_1307 : vector<16xi32>
      %swap3A_1309 = arith.index_cast %add3A_1305 : i32 to index
      %swap3A_1310 = tpu.vector_load %arg7[%swap3A_1309] masked %lt3A_1212 {strides = array<i32>} : memref<1024xi32, #tpu.memory_space<vmem>>, vector<16xi32>, vector<16xi1>
      tpu.vector_store %arg7[%swap3A_1309], %add3A_1308 masked %lt3A_1212 {strides = array<i32>} : memref<1024xi32, #tpu.memory_space<vmem>>, vector<16xi32>, vector<16xi1>
      %add3A_1311 = arith.addi %add3A_1305, %squeeze3A_1215 : i32
      %while3A = arith.constant 768 : i32
      %while3A_1312:2 = scf.while (%while3A_1348 = %while3A, %while3A_1349 = %add3A_1311) : (i32, i32) -> (i32, i32) {
        %lt3A_1350 = arith.constant 4096 : i32
        %lt3A_1351 = arith.cmpi slt, %while3A_1348, %lt3A_1350 : i32
        %lt3A_1352 = arith.constant 32 : i32
        %lt3A_1353 = arith.cmpi slt, %while3A_1349, %lt3A_1352 : i32
        %and3A_1354 = arith.andi %lt3A_1351, %lt3A_1353 : i1
        scf.condition(%and3A_1354) %while3A_1348, %while3A_1349 : i32, i32
      } do {
      ^bb0(%while3A_1348: i32, %while3A_1349: i32):
        %add3A_1350 = arith.constant 128 : i32
        %add3A_1351 = arith.addi %while3A_1348, %add3A_1350 : i32
        %add3A_1352 = arith.constant 0 : i32
        %add3A_1353 = arith.addi %while3A_1348, %add3A_1352 : i32
        %get3A_1354 = arith.index_cast %add3A_1353 : i32 to index
        %get3A_1355 = tpu.vector_load %arg4[%get3A_1354] {strides = array<i32>} : memref<4096xf32, #tpu.memory_space<vmem>>, vector<16xf32>,
        %sub3A_1356 = arith.subf %get3A_1355, %gather3A : vector<16xf32>
        %get3A_1357 = arith.index_cast %add3A_1353 : i32 to index
        %get3A_1358 = tpu.vector_load %arg5[%get3A_1357] {strides = array<i32>} : memref<4096xf32, #tpu.memory_space<vmem>>, vector<16xf32>,
        %sub3A_1359 = arith.subf %get3A_1358, %gather3A_65 : vector<16xf32>
        %get3A_1360 = arith.index_cast %add3A_1353 : i32 to index
        %get3A_1361 = tpu.vector_load %arg6[%get3A_1360] {strides = array<i32>} : memref<4096xf32, #tpu.memory_space<vmem>>, vector<16xf32>,
        %sub3A_1362 = arith.subf %get3A_1361, %gather3A_66 : vector<16xf32>
        %mul3A_1363 = arith.mulf %sub3A_1356, %sub3A_1356 : vector<16xf32>
        %mul3A_1364 = arith.mulf %sub3A_1359, %sub3A_1359 : vector<16xf32>
        %add3A_1365 = arith.addf %mul3A_1363, %mul3A_1364 : vector<16xf32>
        %mul3A_1366 = arith.mulf %sub3A_1362, %sub3A_1362 : vector<16xf32>
        %add3A_1367 = arith.addf %add3A_1365, %mul3A_1366 : vector<16xf32>
        %lt3A_1368 = arith.constant 4.000000e-02 : f32
        %lt3A_1369 = vector.broadcast %lt3A_1368 : f32 to vector<16xf32>
        %lt3A_1370 = arith.cmpf olt, %add3A_1367, %lt3A_1369 : vector<16xf32>
        %all_reduce_population_count3A_1371 = tpu.all_reduce %lt3A_1370 {dim = 0 : i64, kind = #tpu.reduction_kind<sum>} : vector<16xi1> -> vector<16xi32>
        %slice3A_1372 = vector.extract_strided_slice %all_reduce_population_count3A_1371 {offsets = [0], sizes = [1], strides = [1]} : vector<16xi32> to vector<1xi32>
        %squeeze3A_1373 = vector.extract %slice3A_1372[0] : i32 from vector<1xi32>
        %add3A_1374 = arith.constant 16 : i32
        %add3A_1375 = arith.addi %while3A_1348, %add3A_1374 : i32
        %get3A_1376 = arith.index_cast %add3A_1375 : i32 to index
        %get3A_1377 = tpu.vector_load %arg4[%get3A_1376] {strides = array<i32>} : memref<4096xf32, #tpu.memory_space<vmem>>, vector<16xf32>,
        %sub3A_1378 = arith.subf %get3A_1377, %gather3A : vector<16xf32>
        %get3A_1379 = arith.index_cast %add3A_1375 : i32 to index
        %get3A_1380 = tpu.vector_load %arg5[%get3A_1379] {strides = array<i32>} : memref<4096xf32, #tpu.memory_space<vmem>>, vector<16xf32>,
        %sub3A_1381 = arith.subf %get3A_1380, %gather3A_65 : vector<16xf32>
        %get3A_1382 = arith.index_cast %add3A_1375 : i32 to index
        %get3A_1383 = tpu.vector_load %arg6[%get3A_1382] {strides = array<i32>} : memref<4096xf32, #tpu.memory_space<vmem>>, vector<16xf32>,
        %sub3A_1384 = arith.subf %get3A_1383, %gather3A_66 : vector<16xf32>
        %mul3A_1385 = arith.mulf %sub3A_1378, %sub3A_1378 : vector<16xf32>
        %mul3A_1386 = arith.mulf %sub3A_1381, %sub3A_1381 : vector<16xf32>
        %add3A_1387 = arith.addf %mul3A_1385, %mul3A_1386 : vector<16xf32>
        %mul3A_1388 = arith.mulf %sub3A_1384, %sub3A_1384 : vector<16xf32>
        %add3A_1389 = arith.addf %add3A_1387, %mul3A_1388 : vector<16xf32>
        %lt3A_1390 = arith.constant 4.000000e-02 : f32
        %lt3A_1391 = vector.broadcast %lt3A_1390 : f32 to vector<16xf32>
        %lt3A_1392 = arith.cmpf olt, %add3A_1389, %lt3A_1391 : vector<16xf32>
        %all_reduce_population_count3A_1393 = tpu.all_reduce %lt3A_1392 {dim = 0 : i64, kind = #tpu.reduction_kind<sum>} : vector<16xi1> -> vector<16xi32>
        %slice3A_1394 = vector.extract_strided_slice %all_reduce_population_count3A_1393 {offsets = [0], sizes = [1], strides = [1]} : vector<16xi32> to vector<1xi32>
        %squeeze3A_1395 = vector.extract %slice3A_1394[0] : i32 from vector<1xi32>
        %add3A_1396 = arith.constant 32 : i32
        %add3A_1397 = arith.addi %while3A_1348, %add3A_1396 : i32
        %get3A_1398 = arith.index_cast %add3A_1397 : i32 to index
        %get3A_1399 = tpu.vector_load %arg4[%get3A_1398] {strides = array<i32>} : memref<4096xf32, #tpu.memory_space<vmem>>, vector<16xf32>,
        %sub3A_1400 = arith.subf %get3A_1399, %gather3A : vector<16xf32>
        %get3A_1401 = arith.index_cast %add3A_1397 : i32 to index
        %get3A_1402 = tpu.vector_load %arg5[%get3A_1401] {strides = array<i32>} : memref<4096xf32, #tpu.memory_space<vmem>>, vector<16xf32>,
        %sub3A_1403 = arith.subf %get3A_1402, %gather3A_65 : vector<16xf32>
        %get3A_1404 = arith.index_cast %add3A_1397 : i32 to index
        %get3A_1405 = tpu.vector_load %arg6[%get3A_1404] {strides = array<i32>} : memref<4096xf32, #tpu.memory_space<vmem>>, vector<16xf32>,
        %sub3A_1406 = arith.subf %get3A_1405, %gather3A_66 : vector<16xf32>
        %mul3A_1407 = arith.mulf %sub3A_1400, %sub3A_1400 : vector<16xf32>
        %mul3A_1408 = arith.mulf %sub3A_1403, %sub3A_1403 : vector<16xf32>
        %add3A_1409 = arith.addf %mul3A_1407, %mul3A_1408 : vector<16xf32>
        %mul3A_1410 = arith.mulf %sub3A_1406, %sub3A_1406 : vector<16xf32>
        %add3A_1411 = arith.addf %add3A_1409, %mul3A_1410 : vector<16xf32>
        %lt3A_1412 = arith.constant 4.000000e-02 : f32
        %lt3A_1413 = vector.broadcast %lt3A_1412 : f32 to vector<16xf32>
        %lt3A_1414 = arith.cmpf olt, %add3A_1411, %lt3A_1413 : vector<16xf32>
        %all_reduce_population_count3A_1415 = tpu.all_reduce %lt3A_1414 {dim = 0 : i64, kind = #tpu.reduction_kind<sum>} : vector<16xi1> -> vector<16xi32>
        %slice3A_1416 = vector.extract_strided_slice %all_reduce_population_count3A_1415 {offsets = [0], sizes = [1], strides = [1]} : vector<16xi32> to vector<1xi32>
        %squeeze3A_1417 = vector.extract %slice3A_1416[0] : i32 from vector<1xi32>
        %add3A_1418 = arith.constant 48 : i32
        %add3A_1419 = arith.addi %while3A_1348, %add3A_1418 : i32
        %get3A_1420 = arith.index_cast %add3A_1419 : i32 to index
        %get3A_1421 = tpu.vector_load %arg4[%get3A_1420] {strides = array<i32>} : memref<4096xf32, #tpu.memory_space<vmem>>, vector<16xf32>,
        %sub3A_1422 = arith.subf %get3A_1421, %gather3A : vector<16xf32>
        %get3A_1423 = arith.index_cast %add3A_1419 : i32 to index
        %get3A_1424 = tpu.vector_load %arg5[%get3A_1423] {strides = array<i32>} : memref<4096xf32, #tpu.memory_space<vmem>>, vector<16xf32>,
        %sub3A_1425 = arith.subf %get3A_1424, %gather3A_65 : vector<16xf32>
        %get3A_1426 = arith.index_cast %add3A_1419 : i32 to index
        %get3A_1427 = tpu.vector_load %arg6[%get3A_1426] {strides = array<i32>} : memref<4096xf32, #tpu.memory_space<vmem>>, vector<16xf32>,
        %sub3A_1428 = arith.subf %get3A_1427, %gather3A_66 : vector<16xf32>
        %mul3A_1429 = arith.mulf %sub3A_1422, %sub3A_1422 : vector<16xf32>
        %mul3A_1430 = arith.mulf %sub3A_1425, %sub3A_1425 : vector<16xf32>
        %add3A_1431 = arith.addf %mul3A_1429, %mul3A_1430 : vector<16xf32>
        %mul3A_1432 = arith.mulf %sub3A_1428, %sub3A_1428 : vector<16xf32>
        %add3A_1433 = arith.addf %add3A_1431, %mul3A_1432 : vector<16xf32>
        %lt3A_1434 = arith.constant 4.000000e-02 : f32
        %lt3A_1435 = vector.broadcast %lt3A_1434 : f32 to vector<16xf32>
        %lt3A_1436 = arith.cmpf olt, %add3A_1433, %lt3A_1435 : vector<16xf32>
        %all_reduce_population_count3A_1437 = tpu.all_reduce %lt3A_1436 {dim = 0 : i64, kind = #tpu.reduction_kind<sum>} : vector<16xi1> -> vector<16xi32>
        %slice3A_1438 = vector.extract_strided_slice %all_reduce_population_count3A_1437 {offsets = [0], sizes = [1], strides = [1]} : vector<16xi32> to vector<1xi32>
        %squeeze3A_1439 = vector.extract %slice3A_1438[0] : i32 from vector<1xi32>
        %add3A_1440 = arith.constant 64 : i32
        %add3A_1441 = arith.addi %while3A_1348, %add3A_1440 : i32
        %get3A_1442 = arith.index_cast %add3A_1441 : i32 to index
        %get3A_1443 = tpu.vector_load %arg4[%get3A_1442] {strides = array<i32>} : memref<4096xf32, #tpu.memory_space<vmem>>, vector<16xf32>,
        %sub3A_1444 = arith.subf %get3A_1443, %gather3A : vector<16xf32>
        %get3A_1445 = arith.index_cast %add3A_1441 : i32 to index
        %get3A_1446 = tpu.vector_load %arg5[%get3A_1445] {strides = array<i32>} : memref<4096xf32, #tpu.memory_space<vmem>>, vector<16xf32>,
        %sub3A_1447 = arith.subf %get3A_1446, %gather3A_65 : vector<16xf32>
        %get3A_1448 = arith.index_cast %add3A_1441 : i32 to index
        %get3A_1449 = tpu.vector_load %arg6[%get3A_1448] {strides = array<i32>} : memref<4096xf32, #tpu.memory_space<vmem>>, vector<16xf32>,
        %sub3A_1450 = arith.subf %get3A_1449, %gather3A_66 : vector<16xf32>
        %mul3A_1451 = arith.mulf %sub3A_1444, %sub3A_1444 : vector<16xf32>
        %mul3A_1452 = arith.mulf %sub3A_1447, %sub3A_1447 : vector<16xf32>
        %add3A_1453 = arith.addf %mul3A_1451, %mul3A_1452 : vector<16xf32>
        %mul3A_1454 = arith.mulf %sub3A_1450, %sub3A_1450 : vector<16xf32>
        %add3A_1455 = arith.addf %add3A_1453, %mul3A_1454 : vector<16xf32>
        %lt3A_1456 = arith.constant 4.000000e-02 : f32
        %lt3A_1457 = vector.broadcast %lt3A_1456 : f32 to vector<16xf32>
        %lt3A_1458 = arith.cmpf olt, %add3A_1455, %lt3A_1457 : vector<16xf32>
        %all_reduce_population_count3A_1459 = tpu.all_reduce %lt3A_1458 {dim = 0 : i64, kind = #tpu.reduction_kind<sum>} : vector<16xi1> -> vector<16xi32>
        %slice3A_1460 = vector.extract_strided_slice %all_reduce_population_count3A_1459 {offsets = [0], sizes = [1], strides = [1]} : vector<16xi32> to vector<1xi32>
        %squeeze3A_1461 = vector.extract %slice3A_1460[0] : i32 from vector<1xi32>
        %add3A_1462 = arith.constant 80 : i32
        %add3A_1463 = arith.addi %while3A_1348, %add3A_1462 : i32
        %get3A_1464 = arith.index_cast %add3A_1463 : i32 to index
        %get3A_1465 = tpu.vector_load %arg4[%get3A_1464] {strides = array<i32>} : memref<4096xf32, #tpu.memory_space<vmem>>, vector<16xf32>,
        %sub3A_1466 = arith.subf %get3A_1465, %gather3A : vector<16xf32>
        %get3A_1467 = arith.index_cast %add3A_1463 : i32 to index
        %get3A_1468 = tpu.vector_load %arg5[%get3A_1467] {strides = array<i32>} : memref<4096xf32, #tpu.memory_space<vmem>>, vector<16xf32>,
        %sub3A_1469 = arith.subf %get3A_1468, %gather3A_65 : vector<16xf32>
        %get3A_1470 = arith.index_cast %add3A_1463 : i32 to index
        %get3A_1471 = tpu.vector_load %arg6[%get3A_1470] {strides = array<i32>} : memref<4096xf32, #tpu.memory_space<vmem>>, vector<16xf32>,
        %sub3A_1472 = arith.subf %get3A_1471, %gather3A_66 : vector<16xf32>
        %mul3A_1473 = arith.mulf %sub3A_1466, %sub3A_1466 : vector<16xf32>
        %mul3A_1474 = arith.mulf %sub3A_1469, %sub3A_1469 : vector<16xf32>
        %add3A_1475 = arith.addf %mul3A_1473, %mul3A_1474 : vector<16xf32>
        %mul3A_1476 = arith.mulf %sub3A_1472, %sub3A_1472 : vector<16xf32>
        %add3A_1477 = arith.addf %add3A_1475, %mul3A_1476 : vector<16xf32>
        %lt3A_1478 = arith.constant 4.000000e-02 : f32
        %lt3A_1479 = vector.broadcast %lt3A_1478 : f32 to vector<16xf32>
        %lt3A_1480 = arith.cmpf olt, %add3A_1477, %lt3A_1479 : vector<16xf32>
        %all_reduce_population_count3A_1481 = tpu.all_reduce %lt3A_1480 {dim = 0 : i64, kind = #tpu.reduction_kind<sum>} : vector<16xi1> -> vector<16xi32>
        %slice3A_1482 = vector.extract_strided_slice %all_reduce_population_count3A_1481 {offsets = [0], sizes = [1], strides = [1]} : vector<16xi32> to vector<1xi32>
        %squeeze3A_1483 = vector.extract %slice3A_1482[0] : i32 from vector<1xi32>
        %add3A_1484 = arith.constant 96 : i32
        %add3A_1485 = arith.addi %while3A_1348, %add3A_1484 : i32
        %get3A_1486 = arith.index_cast %add3A_1485 : i32 to index
        %get3A_1487 = tpu.vector_load %arg4[%get3A_1486] {strides = array<i32>} : memref<4096xf32, #tpu.memory_space<vmem>>, vector<16xf32>,
        %sub3A_1488 = arith.subf %get3A_1487, %gather3A : vector<16xf32>
        %get3A_1489 = arith.index_cast %add3A_1485 : i32 to index
        %get3A_1490 = tpu.vector_load %arg5[%get3A_1489] {strides = array<i32>} : memref<4096xf32, #tpu.memory_space<vmem>>, vector<16xf32>,
        %sub3A_1491 = arith.subf %get3A_1490, %gather3A_65 : vector<16xf32>
        %get3A_1492 = arith.index_cast %add3A_1485 : i32 to index
        %get3A_1493 = tpu.vector_load %arg6[%get3A_1492] {strides = array<i32>} : memref<4096xf32, #tpu.memory_space<vmem>>, vector<16xf32>,
        %sub3A_1494 = arith.subf %get3A_1493, %gather3A_66 : vector<16xf32>
        %mul3A_1495 = arith.mulf %sub3A_1488, %sub3A_1488 : vector<16xf32>
        %mul3A_1496 = arith.mulf %sub3A_1491, %sub3A_1491 : vector<16xf32>
        %add3A_1497 = arith.addf %mul3A_1495, %mul3A_1496 : vector<16xf32>
        %mul3A_1498 = arith.mulf %sub3A_1494, %sub3A_1494 : vector<16xf32>
        %add3A_1499 = arith.addf %add3A_1497, %mul3A_1498 : vector<16xf32>
        %lt3A_1500 = arith.constant 4.000000e-02 : f32
        %lt3A_1501 = vector.broadcast %lt3A_1500 : f32 to vector<16xf32>
        %lt3A_1502 = arith.cmpf olt, %add3A_1499, %lt3A_1501 : vector<16xf32>
        %all_reduce_population_count3A_1503 = tpu.all_reduce %lt3A_1502 {dim = 0 : i64, kind = #tpu.reduction_kind<sum>} : vector<16xi1> -> vector<16xi32>
        %slice3A_1504 = vector.extract_strided_slice %all_reduce_population_count3A_1503 {offsets = [0], sizes = [1], strides = [1]} : vector<16xi32> to vector<1xi32>
        %squeeze3A_1505 = vector.extract %slice3A_1504[0] : i32 from vector<1xi32>
        %add3A_1506 = arith.constant 112 : i32
        %add3A_1507 = arith.addi %while3A_1348, %add3A_1506 : i32
        %get3A_1508 = arith.index_cast %add3A_1507 : i32 to index
        %get3A_1509 = tpu.vector_load %arg4[%get3A_1508] {strides = array<i32>} : memref<4096xf32, #tpu.memory_space<vmem>>, vector<16xf32>,
        %sub3A_1510 = arith.subf %get3A_1509, %gather3A : vector<16xf32>
        %get3A_1511 = arith.index_cast %add3A_1507 : i32 to index
        %get3A_1512 = tpu.vector_load %arg5[%get3A_1511] {strides = array<i32>} : memref<4096xf32, #tpu.memory_space<vmem>>, vector<16xf32>,
        %sub3A_1513 = arith.subf %get3A_1512, %gather3A_65 : vector<16xf32>
        %get3A_1514 = arith.index_cast %add3A_1507 : i32 to index
        %get3A_1515 = tpu.vector_load %arg6[%get3A_1514] {strides = array<i32>} : memref<4096xf32, #tpu.memory_space<vmem>>, vector<16xf32>,
        %sub3A_1516 = arith.subf %get3A_1515, %gather3A_66 : vector<16xf32>
        %mul3A_1517 = arith.mulf %sub3A_1510, %sub3A_1510 : vector<16xf32>
        %mul3A_1518 = arith.mulf %sub3A_1513, %sub3A_1513 : vector<16xf32>
        %add3A_1519 = arith.addf %mul3A_1517, %mul3A_1518 : vector<16xf32>
        %mul3A_1520 = arith.mulf %sub3A_1516, %sub3A_1516 : vector<16xf32>
        %add3A_1521 = arith.addf %add3A_1519, %mul3A_1520 : vector<16xf32>
        %lt3A_1522 = arith.constant 4.000000e-02 : f32
        %lt3A_1523 = vector.broadcast %lt3A_1522 : f32 to vector<16xf32>
        %lt3A_1524 = arith.cmpf olt, %add3A_1521, %lt3A_1523 : vector<16xf32>
        %all_reduce_population_count3A_1525 = tpu.all_reduce %lt3A_1524 {dim = 0 : i64, kind = #tpu.reduction_kind<sum>} : vector<16xi1> -> vector<16xi32>
        %slice3A_1526 = vector.extract_strided_slice %all_reduce_population_count3A_1525 {offsets = [0], sizes = [1], strides = [1]} : vector<16xi32> to vector<1xi32>
        %squeeze3A_1527 = vector.extract %slice3A_1526[0] : i32 from vector<1xi32>
        %add3A_1528 = arith.constant 0 : i32
        %add3A_1529 = arith.addi %while3A_1348, %add3A_1528 : i32
        %add3A_1530 = vector.broadcast %add3A_1529 : i32 to vector<16xi32>
        %add3A_1531 = arith.addi %iota3A, %add3A_1530 : vector<16xi32>
        %swap3A_1532 = arith.index_cast %while3A_1349 : i32 to index
        %swap3A_1533 = tpu.vector_load %arg7[%swap3A_1532] masked %lt3A_1370 {strides = array<i32>} : memref<1024xi32, #tpu.memory_space<vmem>>, vector<16xi32>, vector<16xi1>
        tpu.vector_store %arg7[%swap3A_1532], %add3A_1531 masked %lt3A_1370 {strides = array<i32>} : memref<1024xi32, #tpu.memory_space<vmem>>, vector<16xi32>, vector<16xi1>
        %add3A_1534 = arith.addi %while3A_1349, %squeeze3A_1373 : i32
        %add3A_1535 = arith.constant 16 : i32
        %add3A_1536 = arith.addi %while3A_1348, %add3A_1535 : i32
        %add3A_1537 = vector.broadcast %add3A_1536 : i32 to vector<16xi32>
        %add3A_1538 = arith.addi %iota3A, %add3A_1537 : vector<16xi32>
        %swap3A_1539 = arith.index_cast %add3A_1534 : i32 to index
        %swap3A_1540 = tpu.vector_load %arg7[%swap3A_1539] masked %lt3A_1392 {strides = array<i32>} : memref<1024xi32, #tpu.memory_space<vmem>>, vector<16xi32>, vector<16xi1>
        tpu.vector_store %arg7[%swap3A_1539], %add3A_1538 masked %lt3A_1392 {strides = array<i32>} : memref<1024xi32, #tpu.memory_space<vmem>>, vector<16xi32>, vector<16xi1>
        %add3A_1541 = arith.addi %add3A_1534, %squeeze3A_1395 : i32
        %add3A_1542 = arith.constant 32 : i32
        %add3A_1543 = arith.addi %while3A_1348, %add3A_1542 : i32
        %add3A_1544 = vector.broadcast %add3A_1543 : i32 to vector<16xi32>
        %add3A_1545 = arith.addi %iota3A, %add3A_1544 : vector<16xi32>
        %swap3A_1546 = arith.index_cast %add3A_1541 : i32 to index
        %swap3A_1547 = tpu.vector_load %arg7[%swap3A_1546] masked %lt3A_1414 {strides = array<i32>} : memref<1024xi32, #tpu.memory_space<vmem>>, vector<16xi32>, vector<16xi1>
        tpu.vector_store %arg7[%swap3A_1546], %add3A_1545 masked %lt3A_1414 {strides = array<i32>} : memref<1024xi32, #tpu.memory_space<vmem>>, vector<16xi32>, vector<16xi1>
        %add3A_1548 = arith.addi %add3A_1541, %squeeze3A_1417 : i32
        %add3A_1549 = arith.constant 48 : i32
        %add3A_1550 = arith.addi %while3A_1348, %add3A_1549 : i32
        %add3A_1551 = vector.broadcast %add3A_1550 : i32 to vector<16xi32>
        %add3A_1552 = arith.addi %iota3A, %add3A_1551 : vector<16xi32>
        %swap3A_1553 = arith.index_cast %add3A_1548 : i32 to index
        %swap3A_1554 = tpu.vector_load %arg7[%swap3A_1553] masked %lt3A_1436 {strides = array<i32>} : memref<1024xi32, #tpu.memory_space<vmem>>, vector<16xi32>, vector<16xi1>
        tpu.vector_store %arg7[%swap3A_1553], %add3A_1552 masked %lt3A_1436 {strides = array<i32>} : memref<1024xi32, #tpu.memory_space<vmem>>, vector<16xi32>, vector<16xi1>
        %add3A_1555 = arith.addi %add3A_1548, %squeeze3A_1439 : i32
        %add3A_1556 = arith.constant 64 : i32
        %add3A_1557 = arith.addi %while3A_1348, %add3A_1556 : i32
        %add3A_1558 = vector.broadcast %add3A_1557 : i32 to vector<16xi32>
        %add3A_1559 = arith.addi %iota3A, %add3A_1558 : vector<16xi32>
        %swap3A_1560 = arith.index_cast %add3A_1555 : i32 to index
        %swap3A_1561 = tpu.vector_load %arg7[%swap3A_1560] masked %lt3A_1458 {strides = array<i32>} : memref<1024xi32, #tpu.memory_space<vmem>>, vector<16xi32>, vector<16xi1>
        tpu.vector_store %arg7[%swap3A_1560], %add3A_1559 masked %lt3A_1458 {strides = array<i32>} : memref<1024xi32, #tpu.memory_space<vmem>>, vector<16xi32>, vector<16xi1>
        %add3A_1562 = arith.addi %add3A_1555, %squeeze3A_1461 : i32
        %add3A_1563 = arith.constant 80 : i32
        %add3A_1564 = arith.addi %while3A_1348, %add3A_1563 : i32
        %add3A_1565 = vector.broadcast %add3A_1564 : i32 to vector<16xi32>
        %add3A_1566 = arith.addi %iota3A, %add3A_1565 : vector<16xi32>
        %swap3A_1567 = arith.index_cast %add3A_1562 : i32 to index
        %swap3A_1568 = tpu.vector_load %arg7[%swap3A_1567] masked %lt3A_1480 {strides = array<i32>} : memref<1024xi32, #tpu.memory_space<vmem>>, vector<16xi32>, vector<16xi1>
        tpu.vector_store %arg7[%swap3A_1567], %add3A_1566 masked %lt3A_1480 {strides = array<i32>} : memref<1024xi32, #tpu.memory_space<vmem>>, vector<16xi32>, vector<16xi1>
        %add3A_1569 = arith.addi %add3A_1562, %squeeze3A_1483 : i32
        %add3A_1570 = arith.constant 96 : i32
        %add3A_1571 = arith.addi %while3A_1348, %add3A_1570 : i32
        %add3A_1572 = vector.broadcast %add3A_1571 : i32 to vector<16xi32>
        %add3A_1573 = arith.addi %iota3A, %add3A_1572 : vector<16xi32>
        %swap3A_1574 = arith.index_cast %add3A_1569 : i32 to index
        %swap3A_1575 = tpu.vector_load %arg7[%swap3A_1574] masked %lt3A_1502 {strides = array<i32>} : memref<1024xi32, #tpu.memory_space<vmem>>, vector<16xi32>, vector<16xi1>
        tpu.vector_store %arg7[%swap3A_1574], %add3A_1573 masked %lt3A_1502 {strides = array<i32>} : memref<1024xi32, #tpu.memory_space<vmem>>, vector<16xi32>, vector<16xi1>
        %add3A_1576 = arith.addi %add3A_1569, %squeeze3A_1505 : i32
        %add3A_1577 = arith.constant 112 : i32
        %add3A_1578 = arith.addi %while3A_1348, %add3A_1577 : i32
        %add3A_1579 = vector.broadcast %add3A_1578 : i32 to vector<16xi32>
        %add3A_1580 = arith.addi %iota3A, %add3A_1579 : vector<16xi32>
        %swap3A_1581 = arith.index_cast %add3A_1576 : i32 to index
        %swap3A_1582 = tpu.vector_load %arg7[%swap3A_1581] masked %lt3A_1524 {strides = array<i32>} : memref<1024xi32, #tpu.memory_space<vmem>>, vector<16xi32>, vector<16xi1>
        tpu.vector_store %arg7[%swap3A_1581], %add3A_1580 masked %lt3A_1524 {strides = array<i32>} : memref<1024xi32, #tpu.memory_space<vmem>>, vector<16xi32>, vector<16xi1>
        %add3A_1583 = arith.addi %add3A_1576, %squeeze3A_1527 : i32
        scf.yield %add3A_1351, %add3A_1583 : i32, i32
      }
      %get3A_1313 = arith.constant 0 : index
      %get3A_1314 = tpu.vector_load %arg7[%get3A_1313] {strides = array<i32>} : memref<1024xi32, #tpu.memory_space<vmem>>, vector<16xi32>,
      %get3A_1315 = arith.constant 16 : index
      %get3A_1316 = tpu.vector_load %arg7[%get3A_1315] {strides = array<i32>} : memref<1024xi32, #tpu.memory_space<vmem>>, vector<16xi32>,
      %lt3A_1317 = vector.broadcast %while3A_1312#1 : i32 to vector<16xi32>
      %lt3A_1318 = arith.cmpi slt, %iota3A, %lt3A_1317 : vector<16xi32>
      %jit3A_1319 = arith.constant 1073741824 : i32
      %broadcast_in_dim3A_1320 = vector.broadcast %jit3A_1319 : i32 to vector<16xi32>
      %select_n3A_1321 = arith.select %lt3A_1318, %get3A_1314, %broadcast_in_dim3A_1320 : vector<16xi1>, vector<16xi32>
      %reduce_min3A = arith.constant true
      %reduce_min3A_1322 = vector.broadcast %reduce_min3A : i1 to vector<16xi1>
      %reduce_min3A_1323 = arith.constant -2147483648 : i32
      %reduce_min3A_1324 = vector.broadcast %reduce_min3A_1323 : i32 to vector<16xi32>
      %reduce_min3A_1325 = arith.xori %select_n3A_1321, %reduce_min3A_1324 : vector<16xi32>
      %reduce_min3A_1326 = tpu.scan <min>, %reduce_min3A_1325 masked %reduce_min3A_1322 : vector<16xi32>, vector<16xi1> -> vector<16xi32>
      %reduce_min3A_1327 = arith.xori %reduce_min3A_1326, %reduce_min3A_1324 : vector<16xi32>
      %reduce_min3A_1328 = vector.extract %reduce_min3A_1327[15] : i32 from vector<16xi32>
      %lt3A_1329 = vector.broadcast %while3A_1312#1 : i32 to vector<16xi32>
      %lt3A_1330 = arith.cmpi slt, %iota3A, %lt3A_1329 : vector<16xi32>
      %broadcast_in_dim3A_1331 = vector.broadcast %reduce_min3A_1328 : i32 to vector<16xi32>
      %select_n3A_1332 = arith.select %lt3A_1330, %get3A_1314, %broadcast_in_dim3A_1331 : vector<16xi1>, vector<16xi32>
      %add3A_1333 = arith.constant 16 : i32
      %add3A_1334 = vector.broadcast %add3A_1333 : i32 to vector<16xi32>
      %add3A_1335 = arith.addi %iota3A, %add3A_1334 : vector<16xi32>
      %lt3A_1336 = vector.broadcast %while3A_1312#1 : i32 to vector<16xi32>
      %lt3A_1337 = arith.cmpi slt, %add3A_1335, %lt3A_1336 : vector<16xi32>
      %broadcast_in_dim3A_1338 = vector.broadcast %reduce_min3A_1328 : i32 to vector<16xi32>
      %select_n3A_1339 = arith.select %lt3A_1337, %get3A_1316, %broadcast_in_dim3A_1338 : vector<16xi1>, vector<16xi32>
      %mul3A_1340 = arith.constant 32 : i32
      %mul3A_1341 = arith.muli %scan3A_62, %mul3A_1340 : i32
      %swap3A_1342 = arith.index_cast %mul3A_1341 : i32 to index
      %swap3A_1343 = tpu.vector_load %arg8[%swap3A_1342] {strides = array<i32>} : memref<16384xi32, #tpu.memory_space<vmem>>, vector<16xi32>,
      tpu.vector_store %arg8[%swap3A_1342], %select_n3A_1332 {strides = array<i32>} : memref<16384xi32, #tpu.memory_space<vmem>>, vector<16xi32>,
      %add3A_1344 = arith.constant 16 : i32
      %add3A_1345 = arith.addi %mul3A_1341, %add3A_1344 : i32
      %swap3A_1346 = arith.index_cast %add3A_1345 : i32 to index
      %swap3A_1347 = tpu.vector_load %arg8[%swap3A_1346] {strides = array<i32>} : memref<16384xi32, #tpu.memory_space<vmem>>, vector<16xi32>,
      tpu.vector_store %arg8[%swap3A_1346], %select_n3A_1339 {strides = array<i32>} : memref<16384xi32, #tpu.memory_space<vmem>>, vector<16xi32>,
    }
    %scan3A_56 = arith.constant 512 : i32
    %mul3A_57 = arith.constant 4096 : i32
    %mul3A_58 = arith.muli %select_n3A, %mul3A_57 : i32
    %add3A_59 = arith.addi %mul3A_58, %mul3A_32 : i32
    %mul3A_60 = arith.constant 32 : i32
    %mul3A_61 = arith.muli %add3A_59, %mul3A_60 : i32
    "tpu.region"() ({
      %run_scoped3A = tpu.sem_alloc : memref<!tpu.dma_semaphore, #tpu.memory_space<semaphore_mem>>
      %dma_start3A = tpu.memref_slice %arg3[%mul3A_61] : memref<524288xi32, #tpu.memory_space<hbm>> -> memref<16384xi32, #tpu.memory_space<hbm>>
      %dma_start3A_62 = tpu.memref_slice %arg3[%mul3A_61] : memref<524288xi32, #tpu.memory_space<hbm>> -> memref<16384xi32, #tpu.memory_space<hbm>>
      tpu.enqueue_dma source(%arg8 : memref<16384xi32, #tpu.memory_space<vmem>>) target(%dma_start3A_62 : memref<16384xi32, #tpu.memory_space<hbm>>) target_semaphore(%run_scoped3A : memref<!tpu.dma_semaphore, #tpu.memory_space<semaphore_mem>>)
      %dma_wait3A = tpu.memref_slice %arg3[%mul3A_61] : memref<524288xi32, #tpu.memory_space<hbm>> -> memref<16384xi32, #tpu.memory_space<hbm>>
      %dma_wait3A_63 = tpu.memref_slice %arg3[%mul3A_61] : memref<524288xi32, #tpu.memory_space<hbm>> -> memref<16384xi32, #tpu.memory_space<hbm>>
      tpu.wait_dma2 semaphore(%run_scoped3A : memref<!tpu.dma_semaphore, #tpu.memory_space<semaphore_mem>>) src(%arg8 : memref<16384xi32, #tpu.memory_space<vmem>>) dst(%dma_wait3A_63 : memref<16384xi32, #tpu.memory_space<hbm>>)
      tpu.yield
    }) : () -> ()
    return
  }
}

</mosaic_0001>

<sc_bundles>
// kernel: kernel.3.cloned.1.call-start
scs
__scs_entry_jumppad:
0x0: {  	(pc) =	sbr.rel $0x88, $3  }
0x1: {  	(tag) =	ssettag $0x0;
	lr =	simm.s32 $0x1  }
0x2: {  	[smem:$0x3FA0] =	sst lr;
	_ =	strace $0xD0000000  }
0x3: {  	_ = 	snop  }
0x4: {  	_ = 	snop  }
0x5: {  	_ = 	snop  }
0x6: {  	_ = 	snop  }
0x7: {  	_ = 	snop  }
__scs_overlays_trampoline_lowered:
0x8: {  	[smem:$0x3FAF] =	sst s0  }
0x9: {  	[smem:$0x3FB0] =	sst s1  }
0xa: {  	[smem:$0x3FB1] =	sst s2  }
0xb: {  	[smem:$0x3FB2] =	sst s3  }
0xc: {  	[smem:$0x3FB3] =	sst s4  }
0xd: {  	[smem:$0x3FB4] =	sst s5  }
0xe: {  	[smem:$0x3FB5] =	sst s6  }
0xf: {  	[smem:$0x3FB6] =	sst s7  }
0x10: {  	[smem:$0x3FB7] =	sst s8  }
0x11: {  	[smem:$0x3FB8] =	sst s9;
	s0 =	simm.s32 @!p0 $0x0  }
0x12: {  	s1 =	sld [smem:$0x3F9E];
	s0 =	simm.s32 @p0 $0x1  }
0x13: {  	[smem:$0x3FB9] =	sst s0;
	s0 =	simm.s32 @!p1 $0x0  }
0x14: {  	s2 =	sld [smem:$0x3F9D];
	s0 =	simm.s32 @p1 $0x1  }
0x15: {  	[smem:$0x3FBA] =	sst s0;
	s0 =	simm.s32 @!p2 $0x0  }
0x16: {  	s3 =	sld [smem:$0x3FDB];
	s0 =	simm.s32 @p2 $0x1  }
0x17: {  	s4 =	simm.s32 $0x1BF5;
	[smem:$0x3FBC] =	sst s0  }
0x18: {  	s0 =	sld [smem:$0x3F9F];
	_ =	swait.ge [sflag:s4], $0x0  }
0x19: {  	s7 =	sld [smem:$0x3FA0]  }
0x1a: {  	s8 =	sadd.s32 $0xFFFFE003, lr  }
0x1b: {  	s9 =	sadd.s32 $0xFFFFFEF7, lr;
	s5 =	simm.s32 $0xFFFFFFFF;
	p2 =	slt.u32 s8, $0xFFFFF086  }
0x1c: {  	p1 =	slt.u32 s9, $0xF7A;
	s5 =	simm.s32 @!p2 $0x0  }
0x1d: {  	s5 =	simm.s32 @p1 $0x1;
	p0 =	seq.s32 s7, s2  }
0x1e: {  	s7 =	smul.u32 @!p0 $0xF7A, s2;
	p2 =	seq.s32 @!p0 s5, $0x0  }
0x1f: {  	s9 =	smul.u32 $0xF7A, s1;
	s8 =	simm.s32 @!p0 $0x1BF5;
	p2 =	por !p2, p0  }
0x20: {  	[sflag:s8] =	ssyncset.s32 @!p0 $0xFFFFF086;
	s6 =	sadd.s32 @!p0 s3, s7;
	s7 =	simm.s32 @!p0 $0x108  }
0x21: {  	s3 =	sadd.s32 s3, s9;
	s6 =	sadd.s32 @!p0 $0x88, s6;
	s7 =	simm.s32 @p2 $0x1082  }
0x22: {  	[simem:s7], [sflag:s8] =	dma.local @!p0 [hbm:s6], $0xF7A  }
0x23: {  	s9 =	sor.u32 $0xD0000000, s2;
	s6 =	simm.s32 $0x108;
	_ =	swait.ge @!p0 [sflag:s8], $0x0  }
0x24: {  	s3 =	sadd.s32 $0x88, s3;
	s6 =	simm.s32 @!p1 $0x1082;
	[sflag:s4] =	ssyncset.s32 $0xFFFFF086  }
0x25: {  	[simem:s6], [sflag:s4] =	dma.local [hbm:s3], $0xF7A  }
0x26: {  	[smem:$0x3FA0] =	sst s1;
	(tag) =	ssettag s2;
	_ =	strace s9  }
0x27: {  	s1 =	sld [smem:$0x3FB0]  }
0x28: {  	s2 =	sld [smem:$0x3FB1]  }
0x29: {  	s4 =	sld [smem:$0x3FB3]  }
0x2a: {  	p0 =	seq.s32 s5, $0x0;
	s5 =	sld [smem:$0x3FB4]  }
0x2b: {  	s6 =	sld [smem:$0x3FB5]  }
0x2c: {  	s7 =	sld [smem:$0x3FB6]  }
0x2d: {  	s3 =	simm.s32 $0x108;
	s8 =	sld [smem:$0x3FB7]  }
0x2e: {  	s3 =	simm.s32 @!p0 $0x1082;
	s9 =	sld [smem:$0x3FB8]  }
0x2f: {  	lr =	sadd.s32 s0, s3;
	s0 =	sld [smem:$0x3FAF]  }
0x30: {  	s3 =	sld [smem:$0x3FB2]  }
0x31: {  	[smem:$0x3FBB] =	sst s10  }
0x32: {  	s10 =	sld [smem:$0x3FB9];
	_ =	sdelay $0x3  }
0x33: {  	p0 =	seq.s32 s10, $0x1;
	s10 =	sld [smem:$0x3FBB];
	_ =	sdelay $0x3  }
0x34: {  	[smem:$0x3FBB] =	sst s10  }
0x35: {  	s10 =	sld [smem:$0x3FBA];
	_ =	sdelay $0x3  }
0x36: {  	p1 =	seq.s32 s10, $0x1;
	s10 =	sld [smem:$0x3FBB];
	_ =	sdelay $0x3  }
0x37: {  	[smem:$0x3FBB] =	sst s10  }
0x38: {  	s10 =	sld [smem:$0x3FBC]  }
0x39: {  	_ = 	snop;
	(pc) =	sbr.ind lr, $3  }
0x3a: {  	_ = 	snop  }
0x3b: {  	_ = 	snop  }
0x3c: {  	p2 =	seq.s32 s10, $0x1;
	s10 =	sld [smem:$0x3FBB]  }
0x3d: {  	_ =	shalt  }
0x3e: {  	_ =	shalt  }
0x3f: {  	_ =	shalt  }
0x40: {  	_ =	shalt  }
0x41: {  	_ =	shalt  }
0x42: {  	_ =	shalt  }
0x43: {  	_ =	shalt  }
0x44: {  	_ =	shalt  }
0x45: {  	_ =	shalt  }
0x46: {  	_ =	shalt  }
0x47: {  	_ =	shalt  }
0x48: {  	_ =	shalt  }
0x49: {  	_ =	shalt  }
0x4a: {  	_ =	shalt  }
0x4b: {  	_ =	shalt  }
0x4c: {  	_ =	shalt  }
0x4d: {  	_ =	shalt  }
0x4e: {  	_ =	shalt  }
0x4f: {  	_ =	shalt  }
0x50: {  	_ =	shalt  }
0x51: {  	_ =	shalt  }
0x52: {  	_ =	shalt  }
0x53: {  	_ =	shalt  }
0x54: {  	_ =	shalt  }
0x55: {  	_ =	shalt  }
0x56: {  	_ =	shalt  }
0x57: {  	_ =	shalt  }
0x58: {  	_ =	shalt  }
0x59: {  	_ =	shalt  }
0x5a: {  	_ =	shalt  }
0x5b: {  	_ =	shalt  }
0x5c: {  	_ =	shalt  }
0x5d: {  	_ =	shalt  }
0x5e: {  	_ =	shalt  }
0x5f: {  	_ =	shalt  }
0x60: {  	_ =	shalt  }
0x61: {  	_ =	shalt  }
0x62: {  	_ =	shalt  }
0x63: {  	_ =	shalt  }
0x64: {  	_ =	shalt  }
0x65: {  	_ =	shalt  }
0x66: {  	_ =	shalt  }
0x67: {  	_ =	shalt  }
0x68: {  	_ =	shalt  }
0x69: {  	_ =	shalt  }
0x6a: {  	_ =	shalt  }
0x6b: {  	_ =	shalt  }
0x6c: {  	_ =	shalt  }
0x6d: {  	_ =	shalt  }
0x6e: {  	_ =	shalt  }
0x6f: {  	_ =	shalt  }
0x70: {  	_ =	shalt  }
0x71: {  	_ =	shalt  }
0x72: {  	_ =	shalt  }
0x73: {  	_ =	shalt  }
0x74: {  	_ =	shalt  }
0x75: {  	_ =	shalt  }
0x76: {  	_ =	shalt  }
0x77: {  	_ =	shalt  }
0x78: {  	_ =	shalt  }
0x79: {  	_ =	shalt  }
0x7a: {  	_ =	shalt  }
0x7b: {  	_ =	shalt  }
0x7c: {  	_ =	shalt  }
0x7d: {  	_ =	shalt  }
0x7e: {  	_ =	shalt  }
0x7f: {  	_ =	shalt  }
0x80: {  	_ =	shalt  }
0x81: {  	_ =	shalt  }
0x82: {  	_ =	shalt  }
0x83: {  	_ =	shalt  }
0x84: {  	_ =	shalt  }
0x85: {  	_ =	shalt  }
0x86: {  	_ =	shalt  }
0x87: {  	_ =	shalt  }
.Lfunc_end0:
.L_simem_size_0:
called_computation_lowered:
.L_overlay_start_0:
0x88: {  	s2 =	sld [smem:$0x3FD9]  }
0x89: {  	s3 =	sld [smem:$0x3FFE];
	_ =	sdelay $0x1  }
0x8a: {  	s1 =	srdreg.scid  }
0x8b: {  	s0 =	sand.u32 $0x1, s1  }
0x8c: {  	s17 =	sshll.u32 s0, $0xA;
	s2 =	sadd.s32 s3, s2  }
0x8d: {  	s2 =	sadd.s32 s2, s17  }
0x8e: {  	[smem:$0x3FC7] =	sst s2  }
0x8f: {  	_ = 	snop  }
0x90: {  	s2 =	sld [smem:$0x3FD0];
	(tm) =	ssettm $0x1  }
0x91: {  	s18 =	sld [smem:$0x3FFB];
	_ =	sdelay $0x3  }
0x92: {  	_ =	strace s18  }
0x93: {  	s3 =	sld [smem:$0x3FFC];
	_ =	sdelay $0x3  }
0x94: {  	_ =	strace s3  }
0x95: {  	s3 =	sld [smem:$0x3FFD];
	_ =	sdelay $0x3  }
0x96: {  	_ =	strace s3  }
0x97: {  	_ =	strace $0x8FFFFFFF  }
0x98: {  	s19 =	sld [smem:$0x3FDB];
	_ =	sdelay $0x1  }
0x99: {  	s4 =	simm.s32 $_scs_section_size  }
0x9a: {  	s5 =	simm.s32 $_size__tile_overlayer_lowered;
	s6 =	simm.s32 $_tile_overlayer_lowered  }
0x9b: {  	s22 =	simm.s32 $0x1BFF;
	s21 =	sshll.u32 s6, $0x1;
	s3 =	sadd.s32 s4, s19  }
0x9c: {  	s7 =	simm.s32 $0x0;
	s20 =	sshll.u32 s5, $0x1;
	s5 =	sadd.s32 s21, s3  }
0x9d: {  	[timem:s7], [sflag:s22] =	dma.local [hbm:s5], s20  }
0x9e: {  	_ =	swait.ge [sflag:s22], s20  }
0x9f: {  	s4 =	ssub.s32 $0x0, s20;
	[sflag:s22] =	ssyncset.done $0x0  }
0xa0: {  	[sflag:s22] =	ssyncadd.s32 s4;
	_ =	sdelay $0x1  }
0xa1: {  	s23 =	simm.s32 $0x1B8B  }
0xa2: {  	_ =	swait.ge [sflag:s23], $0x1  }
0xa3: {  	[sflag:s23] =	ssyncset.done $0x0  }
0xa4: {  	s25 =	simm.s32 $0x1B8E;
	s24 =	sld [smem:$0x3FFE];
	[sflag:s23] =	ssyncadd.s32 $0xFFFFFFFF  }
0xa5: {  	s26 =	simm.s32 $execute0_lowered;
	[smem:$0x3FD2] =	sst s25  }
0xa6: {  	s5 =	sshll.u32 s26, $0x1;
	_ =	strace $0x80000046;
	[dreg:$0x1] =	wrdreg $0xFFFFFFFF  }
0xa7: {  	s28 =	simm.s32 $_size_execute0_lowered;
	s3 =	sadd.s32 s3, s5;
	[dreg:$0x0] =	wrdreg $0x0  }
0xa8: {  	s5 =	sshll.u32 s28, $0x1;
	[dreg:$0x2] =	wrdreg s3  }
0xa9: {  	[dreg:$0x3] =	wrdreg s5  }
0xaa: {  	[dreg:$0x4] =	wrdreg $0xC0  }
0xab: {  	_ =	task [dreg:s7], $0x5FFFF  }
0xac: {  	[dreg:$0x1] =	wrdreg $0xFFFFFFFF  }
0xad: {  	[dreg:$0x0] =	wrdreg $0x60  }
0xae: {  	[dreg:$0x2] =	wrdreg s24  }
0xaf: {  	[dreg:$0x3] =	wrdreg s2  }
0xb0: {  	[dreg:$0x4] =	wrdreg $0x9  }
0xb1: {  	_ =	task.clear_ibuf [dreg:s7], $0x5FFFF;
	_ =	strace $0x90000046  }
0xb2: {  	s29 =	simm.s32 $0x9;
	_ =	strace $0x80000048  }
0xb3: {  	_ =	swait.ge [sflag:s29], $0x1  }
0xb4: {  	[sflag:s29] =	ssyncadd.s32 $0xFFFFFFFF  }
0xb5: {  	_ =	strace $0x90000048  }
0xb6: {  	_ =	sfence  }
0xb7: {  	s30 =	sld [smem:$0x0];
	_ =	sdelay $0x2  }
0xb8: {  	s31 =	sshll.u32 s1, $0xD;
	s1 =	sshrl.u32 s1, $0x2  }
0xb9: {  	s3 =	sand.u32 $0x4000, s31;
	s1 =	sadd.s32 s1, s30  }
0xba: {  	s0 =	sor.u32 s3, s0;
	s1 =	sshll.u32 s1, $0x11  }
0xbb: {  	s0 =	sor.u32 s1, s0  }
0xbc: {  	s0 =	sadd.s32 $0x8F2B, s0  }
0xbd: {  	[sflag:s0] =	ssyncadd.remote.s32 $0x1  }
0xbe: {  	_ =	sfence.sel $0xFFFF  }
0xbf: {  	[dreg:$0x0] =	wrdreg $0xFFFFFFFF;
	(pc) =	sbr.abs _section_cstart, $3  }
0xc0: {  	[dreg:$0x1] =	wrdreg $0xFFFFFFFF  }
0xc1: {  	_ =	task.clear_ibuf [dreg:s7], $0x2FFFF;
	_ =	strace $0x9FFFFFFF  }
0xc2: {  	(tm) =	ssettm $0x7FFFFFFF  }
0xc3: {  	_ =	shalt  }
tec
execute0_lowered:
.L_overlay_start_1:
0x0: {  	(tag) =	ssettag $0x1  }
0x1: {  	v0 =	vlaneseq.u32  }
0x2: {  	s0 =	srdreg.scid;
	s4 =	rddreg [dreg:$0x0];
	v1 =	vor.u32 $0x10, v0;
	v2 =	vor.u32 $0x20, v0  }
0x3: {  	s8 =	rddreg [dreg:$0x1];
	s5 =	simm.s32 $0x1;
	s3 =	sand.u32 $0x1, s0;
	v3 =	vor.u32 $0x30, v0;
	v4 =	vor.u32 $0x40, v0;
	v5 =	vor.u32 $0x50, v0  }
0x4: {  	s13 =	simm.s32 $0x3400;
	s0 =	stileid.u32;
	v6 =	vor.u32 $0x60, v0;
	v7 =	vor.u32 $0x70, v0;
	v8 =	vor.u32 $0x80, v0;
	s1 =	sshll.u32 s3, $0x4  }
0x5: {  	s14 =	simm.s32 $0x0;
	v9 =	vor.u32 $0x90, v0;
	v10 =	vor.u32 $0xA0, v0;
	v11 =	vor.u32 $0xB0, v0;
	s6 =	sand.u32 $0x7, s0;
	s2 =	sor.u32 s0, s1  }
0x6: {  	v12 =	vor.u32 $0xC0, v0;
	v13 =	vor.u32 $0xD0, v0;
	v14 =	vor.u32 $0xE0, v0;
	s10 =	sadd.s32 $0x400, s4;
	p1 =	sne.s32 s6, $0x0;
	p0 =	seq.s32 s2, $0x0  }
0x7: {  	v15 =	vor.u32 $0xF0, v0;
	v16 =	vor.u32 $0x100, v0;
	v17 =	vor.u32 $0x110, v0;
	s3 =	ssub.s32 $0x2, s3;
	s1 =	rddreg [dreg:$0x2];
	p0 =	por !p1, !p0  }
0x8: {  	v18 =	vor.u32 $0x120, v0;
	v19 =	vor.u32 $0x130, v0;
	v20 =	vor.u32 $0x140, v0;
	s28 =	sshrl.u32 s3, $0x1;
	s4 =	sshll.u32 s6, $0x9;
	p0 =	por !p0, !p0  }
0x9: {  	v21 =	vor.u32 $0x150, v0;
	v22 =	vor.u32 $0x160, v0;
	v23 =	vor.u32 $0x170, v0;
	s6 =	sshll.u32 s6, $0xE;
	s7 =	sshrl.u32 s2, $0x3;
	s5 =	simm.s32 @!p0 $0x0  }
0xa: {  	v24 =	vor.u32 $0x180, v0;
	v25 =	vor.u32 $0x190, v0;
	v26 =	vor.u32 $0x1A0, v0;
	s2 =	simm.s32 $0x0;
	s11 =	ssub.s32 s3, s28;
	s7 =	ssub.s32 s7, s5  }
0xb: {  	v27 =	vor.u32 $0x1B0, v0;
	v28 =	vor.u32 $0x1C0, v0;
	v29 =	vor.u32 $0x1D0, v0;
	[smem:$0x7FF] =	sst s2;
	s9 =	smul.u32 $0x3000, s7;
	s7 =	sshll.u32 s7, $0x11  }
0xc: {  	v30 =	vor.u32 $0x1E0, v0;
	v31 =	vor.u32 $0x1F0, v0;
	v32 =	vor.u32 $0x200, v0;
	s3 =	simm.s32 $0x1;
	_ =	strace $0x80000047;
	s6 =	sor.u32 s6, s7  }
.Ltmp0:
0xd: {  	v33 =	vor.u32 $0x210, v0;
	v34 =	vor.u32 $0x220, v0;
	v35 =	vor.u32 $0x230, v0;
	s29 =	sshrl.u32 s9, $0x3;
	s12 =	sadd.s32 $0x1000, s9;
	(pc) =	sbr.rel .LBB2_1-.Ltmp0, $4  }
0xe: {  	v36 =	vor.u32 $0x240, v0;
	v37 =	vor.u32 $0x250, v0;
	v38 =	vor.u32 $0x260, v0;
	s9 =	sadd.s32 $0x2000, s9;
	s31 =	sshrl.u32 s6, $0x3;
	s5 =	sadd.s32 s10, s29  }
0xf: {  	v39 =	vor.u32 $0x270, v0;
	v40 =	vor.u32 $0x280, v0;
	v41 =	vor.u32 $0x290, v0;
	s30 =	sshrl.u32 s12, $0x3;
	s9 =	sshrl.u32 s9, $0x3;
	s8 =	sadd.s32 s8, s31  }
0x10: {  	v42 =	vor.u32 $0x2A0, v0;
	v43 =	vor.u32 $0x2B0, v0;
	v44 =	vor.u32 $0x2C0, v0;
	s12 =	simm.s32 $0x3000;
	s6 =	sadd.s32 s10, s30;
	s7 =	sadd.s32 s10, s9  }
0x11: {  	v45 =	vor.u32 $0x2D0, v0;
	v46 =	vor.u32 $0x2E0, v0;
	v47 =	vor.u32 $0x2F0, v0;
	s9 =	smax.u32 s11, $0x1;
	s10 =	simm.s32 $0x1000;
	s11 =	simm.s32 $0x2000  }
.LBB2_7:
0x12: {  	s14 =	sadd.s32 $0x1, s14  }
0x13: {  	p0 =	sne.s32 s14, s9  }
.Ltmp1:
0x14: {  	_ = 	snop;
	(pc) =	sbr.rel @!p0 .LBB2_8-.Ltmp1, $4  }
0x15: {  	[hbm4b:s8+s2] =	stream.linear.scatter [tilespmem:s13], [sflag:$0x1], $0x4000, $0x38;
	[tilespmem:$0x7400] =	vst v63  }
0x16: {  	_ =	swait.ge [sflag:s3], $0x4000  }
0x17: {  	[sflag:s3] =	ssyncset.done $0x0  }
0x18: {  	[sflag:s3] =	ssyncadd.s32 $0xFFFFC000  }
.LBB2_1:
0x19: {  	[tilespmem:s2], [sflag:$0x1] =	stream.linear.gather [hbm4b:s5+s2], $0x1000, $0x38;
	[tilespmem:$0x7400] =	vst v63  }
0x1a: {  	_ =	swait.ge [sflag:s3], $0x1000  }
0x1b: {  	[sflag:s3] =	ssyncset.done $0x0  }
0x1c: {  	[sflag:s3] =	ssyncadd.s32 $0xFFFFF000  }
0x1d: {  	[tilespmem:s10], [sflag:$0x1] =	stream.linear.gather [hbm4b:s6+s2], $0x1000, $0x38;
	[tilespmem:$0x7400] =	vst v63  }
0x1e: {  	_ =	swait.ge [sflag:s3], $0x1000  }
0x1f: {  	[sflag:s3] =	ssyncset.done $0x0  }
.Ltmp2:
0x20: {  	[sflag:s3] =	ssyncadd.s32 $0xFFFFF000;
	(pc) =	sbr.rel .LBB2_2-.Ltmp2, $4  }
0x21: {  	[tilespmem:s11], [sflag:$0x1] =	stream.linear.gather [hbm4b:s7+s2], $0x1000, $0x38;
	[tilespmem:$0x7400] =	vst v63  }
0x22: {  	_ =	swait.ge [sflag:s3], $0x1000  }
0x23: {  	[sflag:s3] =	ssyncset.done $0x0  }
0x24: {  	s15 =	simm.s32 $0x0;
	[sflag:s3] =	ssyncadd.s32 $0xFFFFF000  }
.LBB2_5:
0x25: {  	s20 =	smov.u32 @p0 s20  }
.LBB2_6:
0x26: {  	v48 =	vld [tilespmem:$0x3000];
	_ =	sdelay $0x3  }
0x27: {  	v49 =	vmov s20  }
0x28: {  	vm0 =	vgt.s32 v49, v0;
	v50 =	vxor.u32 $0x80000000, v48  }
0x29: {  	v50 =	vnsel vm0, $0xC0000000, v50  }
0x2a: {  	(xrf0) =	vmin.scan.msk.u32 $0xffff, v50;
	_ =	sdelay $0x5  }
0x2b: {  	v50, _, _ =	vpop (xrf0)  }
0x2c: {  	(v2sf) =	vpush v50, $0xF;
	_ =	sdelay $0xc  }
0x2d: {  	v63 =	vld [tilespmem:$0x3010];
	s17 =	sshll.u32 s15, $0x5;
	s15 =	sadd.s32 $0x1, s15  }
0x2e: {  	p0 =	sne.s32 s15, $0x200  }
.Ltmp3:
0x2f: {  	s16 =	spop (v2sf);
	(pc) =	sbr.rel @!p0 .LBB2_7-.Ltmp3, $4  }
0x30: {  	s16 =	sxor.u32 $0x80000000, s16  }
0x31: {  	vm15 =	vgt.s32 v49, v1;
	s17 =	sand.u32 $0x3FFFFFE0, s17;
	v48 =	vnsel vm0, s16, v48  }
0x32: {  	v49 =	vnsel vm15, s16, v63;
	[tilespmem:s17+$0x3400] =	vst v48  }
0x33: {  	[tilespmem:s17+$0x3410] =	vst v49  }
.LBB2_2:
0x34: {  	s16 =	sadd.s32 s4, s15  }
0x35: {  	v50 =	vmov s16;
	_ =	sdelay $0x1  }
0x36: {  	v51 =	vld [tilespmem:$0x0]  }
0x37: {  	v52 =	vld [tilespmem:$0x1000]  }
0x38: {  	v53 =	vld [tilespmem:$0x2000]  }
0x39: {  	v48 =	vld.idx.msk [tilespmem:v50+s2+$0x0], $0xffff  }
0x3a: {  	v49 =	vld.idx.msk [tilespmem:v50+s10+$0x0], $0xffff  }
0x3b: {  	v54 =	vld [tilespmem:$0x10]  }
0x3c: {  	v50 =	vld.idx.msk [tilespmem:v50+s11+$0x0], $0xffff  }
0x3d: {  	v55 =	vld [tilespmem:$0x1010]  }
0x3e: {  	v56 =	vld [tilespmem:$0x2010]  }
0x3f: {  	v59 =	vld [tilespmem:$0x30];
	v51 =	vsub.f32 v51, v48;
	v52 =	vsub.f32 v52, v49  }
0x40: {  	v57 =	vld [tilespmem:$0x20]  }
0x41: {  	v58 =	vld [tilespmem:$0x1020];
	v53 =	vsub.f32 v53, v50;
	v51 =	vmul.f32 v51, v51;
	v52 =	vmul.f32 v52, v52  }
0x42: {  	v60 =	vld [tilespmem:$0x2030];
	v54 =	vsub.f32 v54, v48  }
0x43: {  	v55 =	vsub.f32 v55, v49;
	v62 =	vmul.f32 v53, v53;
	v53 =	vld [tilespmem:$0x2020];
	v51 =	vadd.f32 v52, v51  }
0x44: {  	v56 =	vsub.f32 v56, v50;
	v59 =	vsub.f32 v59, v48;
	v52 =	vld [tilespmem:$0x1030]  }
0x45: {  	v61 =	vld [tilespmem:$0x40];
	v54 =	vmul.f32 v54, v54;
	v55 =	vmul.f32 v55, v55;
	v51 =	vadd.f32 v62, v51  }
0x46: {  	v57 =	vsub.f32 v57, v48;
	v58 =	vsub.f32 v58, v49;
	v63 =	vmul.f32 v59, v59;
	v62 =	vld [tilespmem:$0x2040]  }
0x47: {  	vm0 =	vlt.f32 v51, $3.999999910e-02;
	v51 =	vadd.f32 v55, v54;
	v54 =	vmul.f32 v56, v56;
	v55 =	vld [tilespmem:$0x1040]  }
0x48: {  	v53 =	vsub.f32 v53, v50;
	v56 =	vmul.f32 v57, v57;
	v57 =	vmul.f32 v58, v58  }
0x49: {  	v58 =	vmpcnt.ones.xlane vm0;
	v52 =	vsub.f32 v52, v49;
	v51 =	vadd.f32 v54, v51  }
0x4a: {  	v53 =	vmul.f32 v53, v53;
	v54 =	vadd.f32 v57, v56;
	v56 =	vsub.f32 v60, v50  }
0x4b: {  	v60 =	vsub.f32 v61, v48;
	v52 =	vmul.f32 v52, v52;
	v57 =	vsub.f32 v62, v50  }
0x4c: {  	v53 =	vadd.f32 v53, v54;
	v54 =	vmul.f32 v56, v56;
	v56 =	vld [tilespmem:$0x1050];
	v55 =	vsub.f32 v55, v49  }
0x4d: {  	v59 =	vld [tilespmem:$0x50];
	vm1 =	vlt.f32 v51, $3.999999910e-02;
	v51 =	vmul.f32 v60, v60;
	v52 =	vadd.f32 v52, v63  }
0x4e: {  	(v2sf) =	vpush v58, $0x0;
	v61 =	vmpcnt.ones.xlane vm1;
	v63 =	vld [tilespmem:$0x1060];
	v55 =	vmul.f32 v55, v55  }
0x4f: {  	v62 =	vmul.f32 v57, v57;
	vm2 =	vlt.f32 v53, $3.999999910e-02;
	v53 =	vld [tilespmem:$0x60];
	v52 =	vadd.f32 v54, v52  }
0x50: {  	v60 =	vld [tilespmem:$0x2050];
	(v2sf) =	vpush v61, $0x0;
	v61 =	vmpcnt.ones.xlane vm2;
	v51 =	vadd.f32 v55, v51  }
0x51: {  	v54 =	vld [tilespmem:$0x2060];
	vm3 =	vlt.f32 v52, $3.999999910e-02;
	v56 =	vsub.f32 v56, v49  }
0x52: {  	(v2sf) =	vpush v61, $0x0;
	v61 =	vld [tilespmem:$0x1080];
	v57 =	vmpcnt.ones.xlane vm3;
	v51 =	vadd.f32 v62, v51  }
0x53: {  	v55 =	vsub.f32 v63, v49;
	v62 =	vsub.f32 v59, v48;
	v59 =	vld [tilespmem:$0x1070];
	v56 =	vmul.f32 v56, v56  }
0x54: {  	v53 =	vsub.f32 v53, v48;
	(v2sf) =	vpush v57, $0x0;
	vm4 =	vlt.f32 v51, $3.999999910e-02  }
0x55: {  	v58 =	vld [tilespmem:$0x70];
	v51 =	vsub.f32 v60, v50;
	v52 =	vmul.f32 v62, v62;
	v57 =	vmpcnt.ones.xlane vm4  }
0x56: {  	v55 =	vmul.f32 v55, v55;
	v54 =	vsub.f32 v54, v50;
	v53 =	vmul.f32 v53, v53  }
0x57: {  	v60 =	vld [tilespmem:$0x80];
	v51 =	vmul.f32 v51, v51;
	v52 =	vadd.f32 v56, v52;
	(v2sf) =	vpush v57, $0x0  }
0x58: {  	v56 =	vld [tilespmem:$0x2070];
	v57 =	vsub.f32 v59, v49;
	v59 =	vsub.f32 v61, v49  }
0x59: {  	v51 =	vadd.f32 v51, v52;
	v52 =	vadd.f32 v55, v53;
	v53 =	vld [tilespmem:$0x2080]  }
0x5a: {  	v54 =	vmul.f32 v54, v54;
	v55 =	vsub.f32 v58, v48;
	v58 =	vld [tilespmem:$0x90]  }
0x5b: {  	v63 =	vmul.f32 v57, v57;
	v61 =	vmul.f32 v59, v59  }
0x5c: {  	vm5 =	vlt.f32 v51, $3.999999910e-02;
	v51 =	vsub.f32 v60, v48;
	v60 =	vld [tilespmem:$0x1090];
	v52 =	vadd.f32 v54, v52  }
0x5d: {  	v54 =	vmul.f32 v55, v55;
	v56 =	vsub.f32 v56, v50;
	v59 =	vmpcnt.ones.xlane vm5  }
0x5e: {  	v51 =	vmul.f32 v51, v51;
	vm6 =	vlt.f32 v52, $3.999999910e-02;
	v62 =	vsub.f32 v53, v50;
	v53 =	vld [tilespmem:$0x2090]  }
0x5f: {  	v54 =	vadd.f32 v63, v54;
	v55 =	vmul.f32 v56, v56;
	v56 =	vld [tilespmem:$0xA0];
	v57 =	vsub.f32 v58, v48  }
0x60: {  	(v2sf) =	vpush v59, $0x0;
	v51 =	vadd.f32 v61, v51;
	v52 =	vmul.f32 v62, v62  }
0x61: {  	v58 =	vsub.f32 v60, v49;
	v60 =	vld [tilespmem:$0x10A0];
	v54 =	vadd.f32 v55, v54  }
0x62: {  	v63 =	vmpcnt.ones.xlane vm6;
	v59 =	vld [tilespmem:$0xC0];
	v61 =	vmul.f32 v57, v57;
	v51 =	vadd.f32 v52, v51  }
0x63: {  	v57 =	vld [tilespmem:$0x20A0];
	v62 =	vmul.f32 v58, v58;
	vm8 =	vlt.f32 v54, $3.999999910e-02;
	v53 =	vsub.f32 v53, v50  }
0x64: {  	(v2sf) =	vpush v63, $0x0;
	v54 =	vld [tilespmem:$0xB0];
	v63 =	vmpcnt.ones.xlane vm8;
	v55 =	vsub.f32 v56, v48  }
0x65: {  	v52 =	vld [tilespmem:$0x10B0];
	vm7 =	vlt.f32 v51, $3.999999910e-02;
	v51 =	vadd.f32 v62, v61;
	v53 =	vmul.f32 v53, v53  }
0x66: {  	v56 =	vsub.f32 v60, v49;
	v58 =	vmpcnt.ones.xlane vm7;
	v60 =	vld [tilespmem:$0x10C0]  }
0x67: {  	(v2sf) =	vpush v63, $0x0;
	v61 =	vmul.f32 v55, v55;
	v55 =	vld [tilespmem:$0xD0];
	v51 =	vadd.f32 v53, v51  }
0x68: {  	v59 =	vsub.f32 v59, v48;
	v62 =	vmul.f32 v56, v56;
	v56 =	vld [tilespmem:$0x20B0];
	(v2sf) =	vpush v58, $0x0  }
0x69: {  	v58 =	vld [tilespmem:$0x20C0];
	v54 =	vsub.f32 v54, v48;
	vm9 =	vlt.f32 v51, $3.999999910e-02;
	v51 =	vsub.f32 v57, v50  }
0x6a: {  	v52 =	vsub.f32 v52, v49;
	v53 =	vadd.f32 v62, v61;
	v61 =	vld [tilespmem:$0x10D0];
	v57 =	vmpcnt.ones.xlane vm9  }
0x6b: {  	v62 =	vld [tilespmem:$0xE0];
	v54 =	vmul.f32 v54, v54;
	v60 =	vsub.f32 v60, v49;
	v51 =	vmul.f32 v51, v51  }
0x6c: {  	v52 =	vmul.f32 v52, v52;
	v55 =	vsub.f32 v55, v48;
	(v2sf) =	vpush v57, $0x0;
	v57 =	vld [tilespmem:$0x10E0]  }
0x6d: {  	v51 =	vadd.f32 v51, v53;
	v53 =	vmul.f32 v59, v59;
	v59 =	vmul.f32 v60, v60;
	v60 =	vld [tilespmem:$0x20D0]  }
0x6e: {  	v52 =	vadd.f32 v52, v54;
	v54 =	vld [tilespmem:$0x20E0];
	v56 =	vsub.f32 v56, v50  }
0x6f: {  	v63 =	vsub.f32 v58, v50;
	v55 =	vmul.f32 v55, v55  }
0x70: {  	v56 =	vmul.f32 v56, v56;
	v58 =	vsub.f32 v61, v49;
	v53 =	vadd.f32 v59, v53  }
0x71: {  	vm10 =	vlt.f32 v51, $3.999999910e-02;
	v59 =	vsub.f32 v62, v48;
	v57 =	vsub.f32 v57, v49  }
0x72: {  	v51 =	vmul.f32 v63, v63;
	v58 =	vmul.f32 v58, v58;
	v60 =	vsub.f32 v60, v50  }
0x73: {  	v54 =	vsub.f32 v54, v50;
	v59 =	vmul.f32 v59, v59;
	v57 =	vmul.f32 v57, v57  }
0x74: {  	v52 =	vadd.f32 v56, v52;
	v55 =	vadd.f32 v58, v55;
	v61 =	vmul.f32 v60, v60  }
0x75: {  	v51 =	vadd.f32 v51, v53;
	v54 =	vmul.f32 v54, v54;
	v62 =	vadd.f32 v57, v59  }
0x76: {  	v63 =	vmpcnt.ones.xlane vm10;
	vm12 =	vlt.f32 v52, $3.999999910e-02;
	v58 =	vadd.f32 v61, v55  }
0x77: {  	vm11 =	vlt.f32 v51, $3.999999910e-02;
	v59 =	vmpcnt.ones.xlane vm12;
	v60 =	vadd.f32 v54, v62  }
0x78: {  	(v2sf) =	vpush v63, $0x0;
	v61 =	vmpcnt.ones.xlane vm11;
	vm13 =	vlt.f32 v58, $3.999999910e-02  }
0x79: {  	(v2sf) =	vpush v59, $0x0;
	v52 =	vmpcnt.ones.xlane vm13;
	vm14 =	vlt.f32 v60, $3.999999910e-02  }
0x7a: {  	(v2sf) =	vpush v61, $0x0;
	v51 =	vmpcnt.ones.xlane vm14  }
0x7b: {  	(v2sf) =	vpush v52, $0x0  }
0x7c: {  	v56 =	vld [tilespmem:$0x20F0];
	(v2sf) =	vpush v51, $0x0  }
0x7d: {  	s31 =	spop (v2sf);
	v63 =	vld [tilespmem:$0x10F0]  }
0x7e: {  	s17 =	spop (v2sf);
	v62 =	vld [tilespmem:$0xF0];
	[tilespmem:s12+$0x0] =	vst.msk vm0, v0  }
0x7f: {  	s16 =	sadd.s32 s31, s17;
	s18 =	spop (v2sf);
	[tilespmem:s31+$0x3000] =	vst.msk vm1, v1  }
0x80: {  	s19 =	spop (v2sf);
	[tilespmem:s16+$0x3000] =	vst.msk vm2, v2;
	s16 =	sadd.s32 s16, s18  }
0x81: {  	s20 =	spop (v2sf);
	[tilespmem:s16+$0x3000] =	vst.msk vm3, v3;
	s16 =	sadd.s32 s16, s19  }
0x82: {  	s21 =	spop (v2sf);
	[tilespmem:s16+$0x3000] =	vst.msk vm4, v4;
	s16 =	sadd.s32 s16, s20  }
0x83: {  	s22 =	spop (v2sf);
	[tilespmem:s16+$0x3000] =	vst.msk vm5, v5;
	s16 =	sadd.s32 s16, s21  }
0x84: {  	s23 =	spop (v2sf);
	v52 =	vsub.f32 v62, v48;
	v51 =	vsub.f32 v63, v49;
	[tilespmem:s16+$0x3000] =	vst.msk vm6, v6;
	s16 =	sadd.s32 s16, s22  }
0x85: {  	s24 =	spop (v2sf);
	[tilespmem:s16+$0x3000] =	vst.msk vm8, v7;
	s16 =	sadd.s32 s16, s23  }
0x86: {  	v53 =	vsub.f32 v56, v50;
	s25 =	spop (v2sf);
	v52 =	vmul.f32 v52, v52;
	v51 =	vmul.f32 v51, v51;
	[tilespmem:s16+$0x3000] =	vst.msk vm7, v8;
	s16 =	sadd.s32 s16, s24  }
0x87: {  	[tilespmem:s16+$0x3000] =	vst.msk vm9, v9;
	s16 =	sadd.s32 s16, s25;
	s26 =	spop (v2sf)  }
0x88: {  	v57 =	vmul.f32 v53, v53;
	v51 =	vadd.f32 v51, v52;
	[tilespmem:s16+$0x3000] =	vst.msk vm10, v10;
	s16 =	sadd.s32 s16, s26;
	s28 =	spop (v2sf)  }
0x89: {  	[tilespmem:s16+$0x3000] =	vst.msk vm12, v11;
	s29 =	spop (v2sf);
	s16 =	sadd.s32 s16, s28  }
0x8a: {  	v51 =	vadd.f32 v57, v51;
	[tilespmem:s16+$0x3000] =	vst.msk vm11, v12;
	s16 =	sadd.s32 s16, s29;
	s30 =	spop (v2sf)  }
0x8b: {  	[tilespmem:s16+$0x3000] =	vst.msk vm13, v13;
	s31 =	spop (v2sf);
	s16 =	sadd.s32 s16, s30  }
0x8c: {  	vm13 =	vlt.f32 v51, $3.999999910e-02;
	[tilespmem:s16+$0x3000] =	vst.msk vm14, v14;
	s16 =	sadd.s32 s16, s31  }
0x8d: {  	[tilespmem:s16+$0x3000] =	vst.msk vm13, v15  }
0x8e: {  	v58 =	vld [tilespmem:$0x100]  }
0x8f: {  	v59 =	vld [tilespmem:$0x1100]  }
0x90: {  	v60 =	vld [tilespmem:$0x2100]  }
0x91: {  	v61 =	vld [tilespmem:$0x110]  }
0x92: {  	v62 =	vld [tilespmem:$0x1110]  }
0x93: {  	v56 =	vld [tilespmem:$0x2110]  }
0x94: {  	v57 =	vld [tilespmem:$0x120];
	v51 =	vsub.f32 v58, v48;
	v52 =	vsub.f32 v59, v49  }
0x95: {  	v53 =	vsub.f32 v60, v50;
	v60 =	vld [tilespmem:$0x130]  }
0x96: {  	v58 =	vld [tilespmem:$0x1120];
	v51 =	vmul.f32 v51, v51;
	v52 =	vmul.f32 v52, v52  }
0x97: {  	v54 =	vsub.f32 v61, v48;
	v61 =	vld [tilespmem:$0x140]  }
0x98: {  	v55 =	vsub.f32 v62, v49;
	v51 =	vadd.f32 v52, v51;
	v52 =	vmul.f32 v53, v53  }
0x99: {  	v59 =	vmpcnt.ones.xlane vm13;
	v56 =	vsub.f32 v56, v50;
	v57 =	vsub.f32 v57, v48;
	v53 =	vld [tilespmem:$0x2120]  }
0x9a: {  	v60 =	vsub.f32 v60, v48;
	v51 =	vadd.f32 v52, v51;
	v52 =	vld [tilespmem:$0x1130]  }
0x9b: {  	(v2sf) =	vpush v59, $0x0;
	v54 =	vmul.f32 v54, v54;
	v55 =	vmul.f32 v55, v55;
	v59 =	vld [tilespmem:$0x2130]  }
0x9c: {  	v62 =	vld [tilespmem:$0x2140];
	v58 =	vsub.f32 v58, v49;
	v63 =	vmul.f32 v60, v60;
	v60 =	vsub.f32 v61, v48  }
0x9d: {  	vm0 =	vlt.f32 v51, $3.999999910e-02;
	v51 =	vadd.f32 v55, v54;
	v54 =	vmul.f32 v56, v56;
	v55 =	vld [tilespmem:$0x1140]  }
0x9e: {  	v56 =	vmul.f32 v57, v57;
	v57 =	vmul.f32 v58, v58;
	v53 =	vsub.f32 v53, v50  }
0x9f: {  	v58 =	vmpcnt.ones.xlane vm0;
	v51 =	vadd.f32 v54, v51;
	v52 =	vsub.f32 v52, v49  }
0xa0: {  	v54 =	vadd.f32 v57, v56;
	v56 =	vsub.f32 v59, v50;
	v53 =	vmul.f32 v53, v53  }
0xa1: {  	v59 =	vld [tilespmem:$0x150];
	v57 =	vsub.f32 v62, v50;
	vm1 =	vlt.f32 v51, $3.999999910e-02;
	v52 =	vmul.f32 v52, v52  }
0xa2: {  	v55 =	vsub.f32 v55, v49;
	v53 =	vadd.f32 v53, v54;
	v54 =	vmul.f32 v56, v56;
	v56 =	vld [tilespmem:$0x1150]  }
0xa3: {  	(v2sf) =	vpush v58, $0x0;
	v51 =	vmul.f32 v60, v60;
	v60 =	vld [tilespmem:$0x2150];
	v61 =	vmpcnt.ones.xlane vm1  }
0xa4: {  	v52 =	vadd.f32 v52, v63;
	v55 =	vmul.f32 v55, v55;
	vm2 =	vlt.f32 v53, $3.999999910e-02;
	v53 =	vld [tilespmem:$0x160]  }
0xa5: {  	v63 =	vld [tilespmem:$0x1160];
	(v2sf) =	vpush v61, $0x0;
	v61 =	vmpcnt.ones.xlane vm2  }
0xa6: {  	v62 =	vmul.f32 v57, v57;
	v52 =	vadd.f32 v54, v52;
	v51 =	vadd.f32 v55, v51  }
0xa7: {  	v54 =	vld [tilespmem:$0x2160];
	(v2sf) =	vpush v61, $0x0;
	v56 =	vsub.f32 v56, v49  }
0xa8: {  	v61 =	vld [tilespmem:$0x1180];
	vm3 =	vlt.f32 v52, $3.999999910e-02;
	v51 =	vadd.f32 v62, v51;
	v62 =	vsub.f32 v59, v48  }
0xa9: {  	v59 =	vld [tilespmem:$0x1170];
	v57 =	vmpcnt.ones.xlane vm3;
	v56 =	vmul.f32 v56, v56;
	v53 =	vsub.f32 v53, v48  }
0xaa: {  	v55 =	vsub.f32 v63, v49;
	vm4 =	vlt.f32 v51, $3.999999910e-02;
	v51 =	vsub.f32 v60, v50  }
0xab: {  	v58 =	vld [tilespmem:$0x170];
	v52 =	vmul.f32 v62, v62;
	(v2sf) =	vpush v57, $0x0;
	v57 =	vmpcnt.ones.xlane vm4  }
0xac: {  	v53 =	vmul.f32 v53, v53;
	v55 =	vmul.f32 v55, v55;
	v54 =	vsub.f32 v54, v50  }
0xad: {  	v60 =	vld [tilespmem:$0x180];
	v51 =	vmul.f32 v51, v51;
	v52 =	vadd.f32 v56, v52;
	(v2sf) =	vpush v57, $0x0  }
0xae: {  	v56 =	vld [tilespmem:$0x2170];
	v57 =	vsub.f32 v59, v49;
	v59 =	vsub.f32 v61, v49  }
0xaf: {  	v51 =	vadd.f32 v51, v52;
	v52 =	vadd.f32 v55, v53;
	v53 =	vld [tilespmem:$0x2180]  }
0xb0: {  	v54 =	vmul.f32 v54, v54;
	v55 =	vsub.f32 v58, v48;
	v58 =	vld [tilespmem:$0x190]  }
0xb1: {  	v63 =	vmul.f32 v57, v57;
	v61 =	vmul.f32 v59, v59  }
0xb2: {  	vm5 =	vlt.f32 v51, $3.999999910e-02;
	v51 =	vsub.f32 v60, v48;
	v60 =	vld [tilespmem:$0x1190];
	v52 =	vadd.f32 v54, v52  }
0xb3: {  	v54 =	vmul.f32 v55, v55;
	v56 =	vsub.f32 v56, v50;
	v59 =	vmpcnt.ones.xlane vm5  }
0xb4: {  	v51 =	vmul.f32 v51, v51;
	vm6 =	vlt.f32 v52, $3.999999910e-02;
	v62 =	vsub.f32 v53, v50;
	v53 =	vld [tilespmem:$0x2190]  }
0xb5: {  	v54 =	vadd.f32 v63, v54;
	v55 =	vmul.f32 v56, v56;
	v56 =	vld [tilespmem:$0x1A0];
	v57 =	vsub.f32 v58, v48  }
0xb6: {  	(v2sf) =	vpush v59, $0x0;
	v51 =	vadd.f32 v61, v51;
	v52 =	vmul.f32 v62, v62  }
0xb7: {  	v58 =	vsub.f32 v60, v49;
	v60 =	vld [tilespmem:$0x11A0];
	v54 =	vadd.f32 v55, v54  }
0xb8: {  	v63 =	vmpcnt.ones.xlane vm6;
	v59 =	vld [tilespmem:$0x1C0];
	v61 =	vmul.f32 v57, v57;
	v51 =	vadd.f32 v52, v51  }
0xb9: {  	v57 =	vld [tilespmem:$0x21A0];
	v62 =	vmul.f32 v58, v58;
	vm8 =	vlt.f32 v54, $3.999999910e-02;
	v53 =	vsub.f32 v53, v50  }
0xba: {  	(v2sf) =	vpush v63, $0x0;
	v54 =	vld [tilespmem:$0x1B0];
	v63 =	vmpcnt.ones.xlane vm8;
	v55 =	vsub.f32 v56, v48  }
0xbb: {  	v52 =	vld [tilespmem:$0x11B0];
	vm7 =	vlt.f32 v51, $3.999999910e-02;
	v51 =	vadd.f32 v62, v61;
	v53 =	vmul.f32 v53, v53  }
0xbc: {  	v56 =	vsub.f32 v60, v49;
	v58 =	vmpcnt.ones.xlane vm7;
	v60 =	vld [tilespmem:$0x11C0]  }
0xbd: {  	(v2sf) =	vpush v63, $0x0;
	v61 =	vmul.f32 v55, v55;
	v55 =	vld [tilespmem:$0x1D0];
	v51 =	vadd.f32 v53, v51  }
0xbe: {  	v59 =	vsub.f32 v59, v48;
	v62 =	vmul.f32 v56, v56;
	v56 =	vld [tilespmem:$0x21B0];
	(v2sf) =	vpush v58, $0x0  }
0xbf: {  	v58 =	vld [tilespmem:$0x21C0];
	v54 =	vsub.f32 v54, v48;
	vm9 =	vlt.f32 v51, $3.999999910e-02;
	v51 =	vsub.f32 v57, v50  }
0xc0: {  	v52 =	vsub.f32 v52, v49;
	v53 =	vadd.f32 v62, v61;
	v61 =	vld [tilespmem:$0x11D0];
	v57 =	vmpcnt.ones.xlane vm9  }
0xc1: {  	v62 =	vld [tilespmem:$0x1E0];
	v54 =	vmul.f32 v54, v54;
	v60 =	vsub.f32 v60, v49;
	v51 =	vmul.f32 v51, v51  }
0xc2: {  	v52 =	vmul.f32 v52, v52;
	v55 =	vsub.f32 v55, v48;
	(v2sf) =	vpush v57, $0x0;
	v57 =	vld [tilespmem:$0x11E0]  }
0xc3: {  	v51 =	vadd.f32 v51, v53;
	v53 =	vmul.f32 v59, v59;
	v59 =	vmul.f32 v60, v60;
	v60 =	vld [tilespmem:$0x21D0]  }
0xc4: {  	v52 =	vadd.f32 v52, v54;
	v54 =	vld [tilespmem:$0x21E0];
	v56 =	vsub.f32 v56, v50  }
0xc5: {  	v63 =	vsub.f32 v58, v50;
	v55 =	vmul.f32 v55, v55  }
0xc6: {  	v56 =	vmul.f32 v56, v56;
	v58 =	vsub.f32 v61, v49;
	v53 =	vadd.f32 v59, v53  }
0xc7: {  	vm10 =	vlt.f32 v51, $3.999999910e-02;
	v59 =	vsub.f32 v62, v48;
	v57 =	vsub.f32 v57, v49  }
0xc8: {  	v51 =	vmul.f32 v63, v63;
	v58 =	vmul.f32 v58, v58;
	v60 =	vsub.f32 v60, v50  }
0xc9: {  	v54 =	vsub.f32 v54, v50;
	v59 =	vmul.f32 v59, v59;
	v57 =	vmul.f32 v57, v57  }
0xca: {  	v52 =	vadd.f32 v56, v52;
	v55 =	vadd.f32 v58, v55;
	v61 =	vmul.f32 v60, v60  }
0xcb: {  	v51 =	vadd.f32 v51, v53;
	v54 =	vmul.f32 v54, v54;
	v62 =	vadd.f32 v57, v59  }
0xcc: {  	v63 =	vmpcnt.ones.xlane vm10;
	vm12 =	vlt.f32 v52, $3.999999910e-02;
	v58 =	vadd.f32 v61, v55  }
0xcd: {  	vm11 =	vlt.f32 v51, $3.999999910e-02;
	v59 =	vmpcnt.ones.xlane vm12;
	v60 =	vadd.f32 v54, v62  }
0xce: {  	(v2sf) =	vpush v63, $0x0;
	v61 =	vmpcnt.ones.xlane vm11;
	vm13 =	vlt.f32 v58, $3.999999910e-02  }
0xcf: {  	(v2sf) =	vpush v59, $0x0;
	v52 =	vmpcnt.ones.xlane vm13;
	vm14 =	vlt.f32 v60, $3.999999910e-02  }
0xd0: {  	(v2sf) =	vpush v61, $0x0;
	v51 =	vmpcnt.ones.xlane vm14  }
0xd1: {  	(v2sf) =	vpush v52, $0x0  }
0xd2: {  	s19 =	spop (v2sf);
	v56 =	vld [tilespmem:$0x21F0];
	(v2sf) =	vpush v51, $0x0  }
0xd3: {  	s16 =	sadd.s32 s16, s19;
	s20 =	spop (v2sf);
	v63 =	vld [tilespmem:$0x11F0]  }
0xd4: {  	s21 =	spop (v2sf);
	v62 =	vld [tilespmem:$0x1F0];
	[tilespmem:s16+$0x3000] =	vst.msk vm0, v16;
	s16 =	sadd.s32 s16, s20  }
0xd5: {  	s22 =	spop (v2sf);
	[tilespmem:s16+$0x3000] =	vst.msk vm1, v17;
	s16 =	sadd.s32 s16, s21  }
0xd6: {  	s23 =	spop (v2sf);
	[tilespmem:s16+$0x3000] =	vst.msk vm2, v18;
	s16 =	sadd.s32 s16, s22  }
0xd7: {  	s24 =	spop (v2sf);
	[tilespmem:s16+$0x3000] =	vst.msk vm3, v19;
	s16 =	sadd.s32 s16, s23  }
0xd8: {  	s25 =	spop (v2sf);
	[tilespmem:s16+$0x3000] =	vst.msk vm4, v20;
	s16 =	sadd.s32 s16, s24  }
0xd9: {  	s26 =	spop (v2sf);
	[tilespmem:s16+$0x3000] =	vst.msk vm5, v21;
	s16 =	sadd.s32 s16, s25  }
0xda: {  	s28 =	spop (v2sf);
	v52 =	vsub.f32 v62, v48;
	v51 =	vsub.f32 v63, v49;
	[tilespmem:s16+$0x3000] =	vst.msk vm6, v22;
	s16 =	sadd.s32 s16, s26  }
0xdb: {  	s29 =	spop (v2sf);
	[tilespmem:s16+$0x3000] =	vst.msk vm8, v23;
	s16 =	sadd.s32 s16, s28  }
0xdc: {  	v53 =	vsub.f32 v56, v50;
	s30 =	spop (v2sf);
	v52 =	vmul.f32 v52, v52;
	v51 =	vmul.f32 v51, v51;
	[tilespmem:s16+$0x3000] =	vst.msk vm7, v24;
	s16 =	sadd.s32 s16, s29  }
0xdd: {  	[tilespmem:s16+$0x3000] =	vst.msk vm9, v25;
	s16 =	sadd.s32 s16, s30;
	s31 =	spop (v2sf)  }
0xde: {  	v57 =	vmul.f32 v53, v53;
	v51 =	vadd.f32 v51, v52;
	[tilespmem:s16+$0x3000] =	vst.msk vm10, v26;
	s16 =	sadd.s32 s16, s31;
	s19 =	spop (v2sf)  }
0xdf: {  	[tilespmem:s16+$0x3000] =	vst.msk vm12, v27;
	s20 =	spop (v2sf);
	s16 =	sadd.s32 s16, s19  }
0xe0: {  	v51 =	vadd.f32 v57, v51;
	[tilespmem:s16+$0x3000] =	vst.msk vm11, v28;
	s16 =	sadd.s32 s16, s20;
	s21 =	spop (v2sf)  }
0xe1: {  	[tilespmem:s16+$0x3000] =	vst.msk vm13, v29;
	s22 =	spop (v2sf);
	s16 =	sadd.s32 s16, s21  }
0xe2: {  	vm15 =	vlt.f32 v51, $3.999999910e-02;
	[tilespmem:s16+$0x3000] =	vst.msk vm14, v30;
	s16 =	sadd.s32 s16, s22  }
0xe3: {  	[tilespmem:s16+$0x3000] =	vst.msk vm15, v31  }
0xe4: {  	v58 =	vld [tilespmem:$0x200]  }
0xe5: {  	v59 =	vld [tilespmem:$0x1200]  }
0xe6: {  	v60 =	vld [tilespmem:$0x2200]  }
0xe7: {  	v61 =	vld [tilespmem:$0x210]  }
0xe8: {  	v62 =	vld [tilespmem:$0x1210];
	_ =	sdelay $0x1  }
0xe9: {  	v56 =	vld [tilespmem:$0x2210]  }
0xea: {  	v51 =	vsub.f32 v58, v48  }
0xeb: {  	v52 =	vsub.f32 v59, v49;
	v53 =	vsub.f32 v60, v50;
	v60 =	vld [tilespmem:$0x220]  }
0xec: {  	v54 =	vsub.f32 v61, v48;
	v55 =	vsub.f32 v62, v49;
	v61 =	vld [tilespmem:$0x1220]  }
0xed: {  	v51 =	vmul.f32 v51, v51;
	v52 =	vmul.f32 v52, v52  }
0xee: {  	v56 =	vsub.f32 v56, v50;
	v59 =	vld [tilespmem:$0x230];
	v54 =	vmul.f32 v54, v54;
	v55 =	vmul.f32 v55, v55  }
0xef: {  	v63 =	vmul.f32 v53, v53;
	v51 =	vadd.f32 v52, v51;
	v52 =	vld [tilespmem:$0x2220]  }
0xf0: {  	v54 =	vadd.f32 v55, v54;
	v55 =	vmul.f32 v56, v56;
	v56 =	vld [tilespmem:$0x2230];
	v53 =	vsub.f32 v60, v48  }
0xf1: {  	v57 =	vsub.f32 v61, v49;
	v60 =	vld [tilespmem:$0x240];
	v51 =	vadd.f32 v63, v51  }
0xf2: {  	v62 =	vmpcnt.ones.xlane vm15;
	v61 =	vld [tilespmem:$0x250];
	v54 =	vadd.f32 v55, v54  }
0xf3: {  	v53 =	vmul.f32 v53, v53;
	v57 =	vmul.f32 v57, v57;
	vm0 =	vlt.f32 v51, $3.999999910e-02;
	v51 =	vld [tilespmem:$0x1230]  }
0xf4: {  	(v2sf) =	vpush v62, $0x0;
	v59 =	vsub.f32 v59, v48;
	vm1 =	vlt.f32 v54, $3.999999910e-02;
	v54 =	vld [tilespmem:$0x1250]  }
0xf5: {  	v55 =	vld [tilespmem:$0x1240];
	v58 =	vmpcnt.ones.xlane vm0;
	v52 =	vsub.f32 v52, v50;
	v53 =	vadd.f32 v57, v53  }
0xf6: {  	v56 =	vsub.f32 v56, v50;
	v60 =	vsub.f32 v60, v48  }
0xf7: {  	v57 =	vmul.f32 v59, v59;
	(v2sf) =	vpush v58, $0x0;
	v58 =	vld [tilespmem:$0x2240];
	v52 =	vmul.f32 v52, v52  }
0xf8: {  	v62 =	vld [tilespmem:$0x2250];
	v63 =	vmul.f32 v60, v60;
	v60 =	vsub.f32 v61, v48;
	v51 =	vsub.f32 v51, v49  }
0xf9: {  	v59 =	vmpcnt.ones.xlane vm1;
	v52 =	vadd.f32 v52, v53;
	v54 =	vsub.f32 v54, v49  }
0xfa: {  	v55 =	vsub.f32 v55, v49;
	v53 =	vmul.f32 v56, v56;
	v51 =	vmul.f32 v51, v51  }
0xfb: {  	vm2 =	vlt.f32 v52, $3.999999910e-02;
	v52 =	vmul.f32 v60, v60;
	v54 =	vmul.f32 v54, v54  }
0xfc: {  	v55 =	vmul.f32 v55, v55;
	v56 =	vsub.f32 v58, v50;
	v58 =	vld [tilespmem:$0x260];
	v51 =	vadd.f32 v51, v57  }
0xfd: {  	v61 =	vmpcnt.ones.xlane vm2;
	v57 =	vsub.f32 v62, v50;
	v52 =	vadd.f32 v54, v52;
	v54 =	vld [tilespmem:$0x2270]  }
0xfe: {  	v51 =	vadd.f32 v53, v51;
	v53 =	vadd.f32 v55, v63;
	v55 =	vmul.f32 v56, v56;
	v56 =	vld [tilespmem:$0x1260]  }
0xff: {  	(v2sf) =	vpush v59, $0x0;
	v60 =	vld [tilespmem:$0x2260];
	v62 =	vmul.f32 v57, v57  }
0x100: {  	(v2sf) =	vpush v61, $0x0;
	v63 =	vld [tilespmem:$0x1270]  }
0x101: {  	vm3 =	vlt.f32 v51, $3.999999910e-02;
	v51 =	vld [tilespmem:$0x270];
	v53 =	vadd.f32 v55, v53;
	v52 =	vadd.f32 v62, v52  }
0x102: {  	v62 =	vsub.f32 v58, v48;
	v61 =	vmpcnt.ones.xlane vm3;
	v54 =	vsub.f32 v54, v50  }
0x103: {  	v59 =	vld [tilespmem:$0x1280];
	vm4 =	vlt.f32 v53, $3.999999910e-02;
	vm5 =	vlt.f32 v52, $3.999999910e-02;
	v56 =	vsub.f32 v56, v49  }
0x104: {  	v52 =	vsub.f32 v60, v50;
	(v2sf) =	vpush v61, $0x0;
	v57 =	vmpcnt.ones.xlane vm4;
	v61 =	vld [tilespmem:$0x1290]  }
0x105: {  	v58 =	vld [tilespmem:$0x280];
	v53 =	vmul.f32 v62, v62;
	v55 =	vsub.f32 v63, v49;
	v56 =	vmul.f32 v56, v56  }
0x106: {  	v51 =	vsub.f32 v51, v48;
	(v2sf) =	vpush v57, $0x0;
	v57 =	vmpcnt.ones.xlane vm5  }
0x107: {  	v60 =	vld [tilespmem:$0x290];
	v52 =	vmul.f32 v52, v52;
	v55 =	vmul.f32 v55, v55;
	v53 =	vadd.f32 v56, v53  }
0x108: {  	v51 =	vmul.f32 v51, v51;
	(v2sf) =	vpush v57, $0x0;
	v56 =	vld [tilespmem:$0x2280];
	v57 =	vsub.f32 v59, v49  }
0x109: {  	v59 =	vsub.f32 v61, v49;
	v52 =	vadd.f32 v52, v53;
	v53 =	vld [tilespmem:$0x2290]  }
0x10a: {  	v54 =	vmul.f32 v54, v54;
	v51 =	vadd.f32 v55, v51;
	v55 =	vsub.f32 v58, v48;
	v58 =	vld [tilespmem:$0x2A0]  }
0x10b: {  	v63 =	vmul.f32 v57, v57;
	v61 =	vmul.f32 v59, v59  }
0x10c: {  	vm6 =	vlt.f32 v52, $3.999999910e-02;
	v52 =	vsub.f32 v60, v48;
	v60 =	vld [tilespmem:$0x12A0];
	v51 =	vadd.f32 v54, v51  }
0x10d: {  	v54 =	vmul.f32 v55, v55;
	v56 =	vsub.f32 v56, v50;
	v59 =	vmpcnt.ones.xlane vm6  }
0x10e: {  	v52 =	vmul.f32 v52, v52;
	vm7 =	vlt.f32 v51, $3.999999910e-02;
	v62 =	vsub.f32 v53, v50;
	v53 =	vld [tilespmem:$0x22A0]  }
0x10f: {  	v54 =	vadd.f32 v63, v54;
	v55 =	vmul.f32 v56, v56;
	v56 =	vld [tilespmem:$0x2B0];
	v57 =	vsub.f32 v58, v48  }
0x110: {  	(v2sf) =	vpush v59, $0x0;
	v52 =	vadd.f32 v61, v52;
	v51 =	vmul.f32 v62, v62  }
0x111: {  	v58 =	vsub.f32 v60, v49;
	v60 =	vld [tilespmem:$0x12B0];
	v54 =	vadd.f32 v55, v54  }
0x112: {  	v63 =	vmpcnt.ones.xlane vm7;
	v59 =	vld [tilespmem:$0x2D0];
	v61 =	vmul.f32 v57, v57;
	v51 =	vadd.f32 v51, v52  }
0x113: {  	v57 =	vld [tilespmem:$0x22B0];
	v62 =	vmul.f32 v58, v58;
	vm8 =	vlt.f32 v54, $3.999999910e-02;
	v53 =	vsub.f32 v53, v50  }
0x114: {  	(v2sf) =	vpush v63, $0x0;
	v54 =	vld [tilespmem:$0x2C0];
	v63 =	vmpcnt.ones.xlane vm8;
	v55 =	vsub.f32 v56, v48  }
0x115: {  	v52 =	vld [tilespmem:$0x12C0];
	vm9 =	vlt.f32 v51, $3.999999910e-02;
	v51 =	vadd.f32 v62, v61;
	v53 =	vmul.f32 v53, v53  }
0x116: {  	v56 =	vsub.f32 v60, v49;
	v58 =	vmpcnt.ones.xlane vm9;
	v60 =	vld [tilespmem:$0x12D0]  }
0x117: {  	(v2sf) =	vpush v63, $0x0;
	v61 =	vmul.f32 v55, v55;
	v55 =	vld [tilespmem:$0x2E0];
	v51 =	vadd.f32 v53, v51  }
0x118: {  	v59 =	vsub.f32 v59, v48;
	v62 =	vmul.f32 v56, v56;
	v56 =	vld [tilespmem:$0x22C0];
	(v2sf) =	vpush v58, $0x0  }
0x119: {  	v58 =	vld [tilespmem:$0x22D0];
	v54 =	vsub.f32 v54, v48;
	vm10 =	vlt.f32 v51, $3.999999910e-02;
	v51 =	vsub.f32 v57, v50  }
0x11a: {  	v52 =	vsub.f32 v52, v49;
	v53 =	vadd.f32 v62, v61;
	v61 =	vld [tilespmem:$0x12E0];
	v57 =	vmpcnt.ones.xlane vm10  }
0x11b: {  	v62 =	vld [tilespmem:$0x2F0];
	v54 =	vmul.f32 v54, v54;
	v60 =	vsub.f32 v60, v49;
	v51 =	vmul.f32 v51, v51  }
0x11c: {  	v52 =	vmul.f32 v52, v52;
	v55 =	vsub.f32 v55, v48;
	(v2sf) =	vpush v57, $0x0;
	v57 =	vld [tilespmem:$0x12F0]  }
0x11d: {  	v51 =	vadd.f32 v51, v53;
	v53 =	vmul.f32 v59, v59;
	v59 =	vmul.f32 v60, v60;
	v60 =	vld [tilespmem:$0x22E0]  }
0x11e: {  	v52 =	vadd.f32 v52, v54;
	v54 =	vld [tilespmem:$0x22F0]  }
0x11f: {  	v56 =	vsub.f32 v56, v50;
	v63 =	vsub.f32 v58, v50;
	v55 =	vmul.f32 v55, v55  }
0x120: {  	v58 =	vsub.f32 v61, v49;
	vm11 =	vlt.f32 v51, $3.999999910e-02;
	v51 =	vadd.f32 v59, v53  }
0x121: {  	v56 =	vmul.f32 v56, v56;
	v59 =	vsub.f32 v62, v48;
	v57 =	vsub.f32 v57, v49  }
0x122: {  	v53 =	vmul.f32 v63, v63;
	v58 =	vmul.f32 v58, v58;
	v60 =	vsub.f32 v60, v50  }
0x123: {  	v54 =	vsub.f32 v54, v50;
	v59 =	vmul.f32 v59, v59;
	v57 =	vmul.f32 v57, v57  }
0x124: {  	v52 =	vadd.f32 v56, v52;
	v55 =	vadd.f32 v58, v55;
	v63 =	vmul.f32 v60, v60  }
0x125: {  	v51 =	vadd.f32 v53, v51;
	v54 =	vmul.f32 v54, v54;
	v57 =	vadd.f32 v57, v59  }
0x126: {  	vm12 =	vlt.f32 v52, $3.999999910e-02;
	v59 =	vmpcnt.ones.xlane vm11;
	v58 =	vadd.f32 v63, v55  }
0x127: {  	vm13 =	vlt.f32 v51, $3.999999910e-02;
	v61 =	vmpcnt.ones.xlane vm12;
	v60 =	vadd.f32 v54, v57  }
0x128: {  	v62 =	vmpcnt.ones.xlane vm13;
	(v2sf) =	vpush v59, $0x0;
	vm14 =	vlt.f32 v58, $3.999999910e-02  }
0x129: {  	(v2sf) =	vpush v61, $0x0;
	v63 =	vmpcnt.ones.xlane vm14;
	vm15 =	vlt.f32 v60, $3.999999910e-02  }
0x12a: {  	(v2sf) =	vpush v62, $0x0;
	v51 =	vmpcnt.ones.xlane vm15  }
0x12b: {  	s23 =	spop (v2sf);
	(v2sf) =	vpush v63, $0x0  }
0x12c: {  	s16 =	sadd.s32 s16, s23;
	s24 =	spop (v2sf);
	(v2sf) =	vpush v51, $0x0  }
0x12d: {  	s25 =	spop (v2sf);
	s17 =	sadd.s32 s16, s24  }
0x12e: {  	s18 =	sadd.s32 s17, s25;
	s19 =	spop (v2sf)  }
0x12f: {  	s26 =	sadd.s32 s18, s19;
	s20 =	spop (v2sf)  }
0x130: {  	s29 =	sadd.s32 s26, s20;
	s28 =	spop (v2sf)  }
0x131: {  	s31 =	sadd.s32 s29, s28;
	s30 =	spop (v2sf);
	[tilespmem:s16+$0x3000] =	vst.msk vm0, v32  }
0x132: {  	s22 =	sadd.s32 s31, s30;
	s21 =	spop (v2sf);
	[tilespmem:s17+$0x3000] =	vst.msk vm1, v33  }
0x133: {  	s24 =	sadd.s32 s22, s21;
	[tilespmem:s18+$0x3000] =	vst.msk vm2, v34;
	s23 =	spop (v2sf)  }
0x134: {  	[tilespmem:s26+$0x3000] =	vst.msk vm3, v35;
	s26 =	sadd.s32 s24, s23;
	s25 =	spop (v2sf)  }
0x135: {  	[tilespmem:s29+$0x3000] =	vst.msk vm4, v36;
	s29 =	sadd.s32 s26, s25;
	s28 =	spop (v2sf)  }
0x136: {  	[tilespmem:s31+$0x3000] =	vst.msk vm5, v37;
	s31 =	sadd.s32 s29, s28;
	s30 =	spop (v2sf)  }
0x137: {  	[tilespmem:s22+$0x3000] =	vst.msk vm6, v38;
	s22 =	sadd.s32 s31, s30;
	s21 =	spop (v2sf)  }
0x138: {  	[tilespmem:s24+$0x3000] =	vst.msk vm7, v39;
	s23 =	spop (v2sf);
	s24 =	sadd.s32 s22, s21  }
0x139: {  	[tilespmem:s26+$0x3000] =	vst.msk vm8, v40;
	s25 =	spop (v2sf);
	s26 =	sadd.s32 s24, s23  }
0x13a: {  	[tilespmem:s29+$0x3000] =	vst.msk vm9, v41;
	s29 =	sadd.s32 s26, s25;
	s28 =	spop (v2sf)  }
0x13b: {  	[tilespmem:s31+$0x3000] =	vst.msk vm10, v42;
	s30 =	spop (v2sf);
	s31 =	sadd.s32 s29, s28  }
0x13c: {  	s20 =	sadd.s32 s31, s30  }
0x13d: {  	p0 =	sgt.s32 s20, $0x1F  }
.Ltmp4:
0x13e: {  	[tilespmem:s22+$0x3000] =	vst.msk vm11, v43;
	(pc) =	sbr.rel @p0 .LBB2_6-.Ltmp4, $4  }
0x13f: {  	[tilespmem:s24+$0x3000] =	vst.msk vm12, v44  }
0x140: {  	[tilespmem:s26+$0x3000] =	vst.msk vm13, v45  }
0x141: {  	[tilespmem:s29+$0x3000] =	vst.msk vm14, v46  }
0x142: {  	[tilespmem:s31+$0x3000] =	vst.msk vm15, v47  }
0x143: {  	s16 =	simm.s32 $0x300  }
0x144: {  	s17 =	simm.s32 $0x2370;
	s18 =	simm.s32 $0x1370;
	s19 =	simm.s32 $0x370  }
.LBB2_4:
0x145: {  	v51 =	vld [tilespmem:s19+$0xFFFFFF90]  }
0x146: {  	v52 =	vld [tilespmem:s18+$0xFFFFFF90]  }
0x147: {  	v53 =	vld [tilespmem:s19+$0xFFFFFFA0]  }
0x148: {  	v54 =	vld [tilespmem:s18+$0xFFFFFFA0]  }
0x149: {  	v55 =	vld [tilespmem:s17+$0xFFFFFF90]  }
0x14a: {  	v56 =	vld [tilespmem:s17+$0xFFFFFFA0]  }
0x14b: {  	v58 =	vld [tilespmem:s18+$0xFFFFFFB0]  }
0x14c: {  	v57 =	vld [tilespmem:s19+$0xFFFFFFB0];
	v51 =	vsub.f32 v51, v48;
	v52 =	vsub.f32 v52, v49  }
0x14d: {  	v53 =	vsub.f32 v53, v48;
	v54 =	vsub.f32 v54, v49  }
0x14e: {  	v55 =	vsub.f32 v55, v50;
	v51 =	vmul.f32 v51, v51;
	v52 =	vmul.f32 v52, v52  }
0x14f: {  	v59 =	vld [tilespmem:s17+$0xFFFFFFB0];
	v56 =	vsub.f32 v56, v50;
	v53 =	vmul.f32 v53, v53;
	v54 =	vmul.f32 v54, v54  }
0x150: {  	v60 =	vsub.f32 v58, v49;
	v58 =	vld [tilespmem:s18+$0xFFFFFFC0];
	v61 =	vmul.f32 v55, v55;
	v51 =	vadd.f32 v52, v51  }
0x151: {  	v63 =	vsub.f32 v57, v48;
	v62 =	vmul.f32 v56, v56;
	v53 =	vadd.f32 v54, v53  }
0x152: {  	v54 =	vld [tilespmem:s19+$0xFFFFFFC0];
	v51 =	vadd.f32 v61, v51  }
0x153: {  	v57 =	vld [tilespmem:s19+$0xFFFFFFD0];
	v52 =	vadd.f32 v62, v53;
	v61 =	vmul.f32 v63, v63  }
0x154: {  	v62 =	vmul.f32 v60, v60;
	v63 =	vsub.f32 v59, v50;
	v53 =	vld [tilespmem:s18+$0xFFFFFFD0];
	vm1 =	vlt.f32 v51, $3.999999910e-02  }
0x155: {  	v56 =	vld [tilespmem:s17+$0xFFFFFFC0];
	v55 =	vsub.f32 v58, v49;
	v60 =	vmpcnt.ones.xlane vm1  }
0x156: {  	v58 =	vld [tilespmem:s19+$0xFFFFFFE0];
	vm0 =	vlt.f32 v52, $3.999999910e-02;
	v52 =	vadd.f32 v62, v61;
	v51 =	vmul.f32 v63, v63  }
0x157: {  	v54 =	vsub.f32 v54, v48;
	(v2sf) =	vpush v60, $0x0;
	v60 =	vld [tilespmem:s18+$0xFFFFFFE0]  }
0x158: {  	v62 =	vmul.f32 v55, v55;
	v55 =	vld [tilespmem:s17+$0xFFFFFFD0];
	v59 =	vmpcnt.ones.xlane vm0;
	v51 =	vadd.f32 v51, v52  }
0x159: {  	v57 =	vsub.f32 v57, v48;
	v61 =	vmul.f32 v54, v54;
	v54 =	vld [tilespmem:s19+$0xFFFFFFF0];
	v53 =	vsub.f32 v53, v49  }
0x15a: {  	(v2sf) =	vpush v59, $0x0;
	v59 =	vld [tilespmem:s17+$0xFFFFFFE0];
	vm2 =	vlt.f32 v51, $3.999999910e-02;
	v51 =	vsub.f32 v56, v50  }
0x15b: {  	v58 =	vsub.f32 v58, v48;
	v52 =	vadd.f32 v62, v61;
	v56 =	vmpcnt.ones.xlane vm2;
	v61 =	vld [tilespmem:s18+$0xFFFFFFF0]  }
0x15c: {  	v62 =	vld [tilespmem:s19+$0x0];
	v53 =	vmul.f32 v53, v53;
	v51 =	vmul.f32 v51, v51;
	v60 =	vsub.f32 v60, v49  }
0x15d: {  	v55 =	vsub.f32 v55, v50;
	(v2sf) =	vpush v56, $0x0;
	v56 =	vmul.f32 v57, v57;
	v57 =	vld [tilespmem:s18+$0x0]  }
0x15e: {  	v51 =	vadd.f32 v51, v52;
	v52 =	vmul.f32 v58, v58;
	v58 =	vmul.f32 v60, v60;
	v60 =	vld [tilespmem:s17+$0xFFFFFFF0]  }
0x15f: {  	v53 =	vadd.f32 v53, v56;
	v56 =	vld [tilespmem:s17+$0x0]  }
0x160: {  	v55 =	vmul.f32 v55, v55;
	v54 =	vsub.f32 v54, v48;
	v63 =	vsub.f32 v59, v50  }
0x161: {  	vm3 =	vlt.f32 v51, $3.999999910e-02;
	v51 =	vadd.f32 v58, v52;
	v58 =	vsub.f32 v61, v49  }
0x162: {  	v59 =	vsub.f32 v62, v48;
	v54 =	vmul.f32 v54, v54;
	v57 =	vsub.f32 v57, v49  }
0x163: {  	v52 =	vmul.f32 v63, v63;
	v58 =	vmul.f32 v58, v58;
	v60 =	vsub.f32 v60, v50  }
0x164: {  	v59 =	vmul.f32 v59, v59;
	v56 =	vsub.f32 v56, v50;
	v57 =	vmul.f32 v57, v57  }
0x165: {  	v53 =	vadd.f32 v55, v53;
	v54 =	vadd.f32 v58, v54;
	v62 =	vmul.f32 v60, v60  }
0x166: {  	v51 =	vadd.f32 v52, v51;
	v63 =	vadd.f32 v57, v59;
	v56 =	vmul.f32 v56, v56  }
0x167: {  	vm7 =	vlt.f32 v53, $3.999999910e-02;
	v59 =	vmpcnt.ones.xlane vm3;
	v58 =	vadd.f32 v62, v54  }
0x168: {  	v61 =	vmpcnt.ones.xlane vm7;
	vm4 =	vlt.f32 v51, $3.999999910e-02;
	v60 =	vadd.f32 v56, v63  }
0x169: {  	(v2sf) =	vpush v59, $0x0;
	v62 =	vmpcnt.ones.xlane vm4;
	vm5 =	vlt.f32 v58, $3.999999910e-02  }
0x16a: {  	(v2sf) =	vpush v61, $0x0;
	vm6 =	vlt.f32 v60, $3.999999910e-02;
	v63 =	vmpcnt.ones.xlane vm5  }
0x16b: {  	(v2sf) =	vpush v62, $0x0;
	v51 =	vmpcnt.ones.xlane vm6  }
0x16c: {  	(v2sf) =	vpush v63, $0x0  }
0x16d: {  	(v2sf) =	vpush v51, $0x0;
	_ =	sdelay $0x7  }
0x16e: {  	s21 =	spop (v2sf)  }
0x16f: {  	s22 =	spop (v2sf);
	s21 =	sadd.s32 s20, s21  }
0x170: {  	s22 =	sadd.s32 s21, s22;
	s23 =	spop (v2sf)  }
0x171: {  	s25 =	sadd.s32 $0x10, s16;
	v56 =	vor.u32 s16, v0;
	s23 =	sadd.s32 s22, s23;
	s24 =	spop (v2sf)  }
0x172: {  	s30 =	sadd.s32 $0x20, s16;
	v57 =	vor.u32 s25, v0;
	[tilespmem:s20+$0x3000] =	vst.msk vm1, v56;
	s26 =	spop (v2sf);
	s24 =	sadd.s32 s23, s24  }
0x173: {  	[tilespmem:s21+$0x3000] =	vst.msk vm0, v57;
	v58 =	vor.u32 s30, v0;
	s21 =	sadd.s32 s24, s26;
	s31 =	spop (v2sf)  }
0x174: {  	[tilespmem:s22+$0x3000] =	vst.msk vm2, v58;
	s22 =	sadd.s32 s21, s31;
	s29 =	spop (v2sf)  }
0x175: {  	s31 =	spop (v2sf);
	s29 =	sadd.s32 s22, s29  }
0x176: {  	p0 =	sgt.u32 s16, $0xF7F;
	s20 =	sadd.s32 s29, s31  }
0x177: {  	s28 =	sadd.s32 $0x30, s16;
	p1 =	slt.s32 @!p0 s20, $0x20  }
0x178: {  	v59 =	vor.u32 s28, v0;
	s30 =	sadd.s32 $0x40, s16;
	p1 =	por p0, !p1  }
.Ltmp5:
0x179: {  	s28 =	sadd.s32 $0x50, s16;
	v60 =	vor.u32 s30, v0;
	[tilespmem:s23+$0x3000] =	vst.msk vm3, v59;
	(pc) =	sbr.rel @!p1 .LBB2_4-.Ltmp5, $4  }
0x17a: {  	v61 =	vor.u32 s28, v0;
	s30 =	sadd.s32 $0x60, s16;
	[tilespmem:s24+$0x3000] =	vst.msk vm7, v60  }
0x17b: {  	v62 =	vor.u32 s30, v0;
	[tilespmem:s21+$0x3000] =	vst.msk vm4, v61;
	s31 =	sadd.s32 $0x70, s16  }
0x17c: {  	s19 =	sadd.s32 $0x80, s19;
	[tilespmem:s22+$0x3000] =	vst.msk vm5, v62;
	v63 =	vor.u32 s31, v0  }
0x17d: {  	s18 =	sadd.s32 $0x80, s18;
	s17 =	sadd.s32 $0x80, s17;
	s16 =	sadd.s32 $0x80, s16;
	[tilespmem:s29+$0x3000] =	vst.msk vm6, v63  }
.Ltmp6:
0x17e: {  	_ = 	snop;
	(pc) =	sbr.rel .LBB2_5-.Ltmp6, $1  }
0x17f: {  	_ =	sdelay $0x3  }
.LBB2_8:
0x180: {  	_ =	sfence.sel $0x180000  }
0x181: {  	[bflag:$0x0] =	sbarrier.arrive $0xFFFF  }
0x182: {  	p0 =	sne.s32 s0, $0x0;
	_ =	strace $0x90000047  }
0x183: {  	s0 =	sadd.s32 @!p0 $0x100000, s1;
	[bflag:$0x2] =	sbarrier.arrive $0xFFFF  }
0x184: {  	[sflag:s0] =	ssyncadd.tile.s32 @!p0 $0x1;
	_ =	shalt  }
.Lfunc_end2:
_tile_overlayer_lowered:
.L_overlay_start_2:
0x185: {  	(tag) =	ssettag $0x2  }
0x186: {  	s0 =	rddreg [dreg:$0x0];
	s2 =	stileid.u32  }
0x187: {  	s1 =	rddreg [dreg:$0x1];
	p0 =	sne.s32 s2, $0x0  }
0x188: {  	s3 =	rddreg [dreg:$0x2];
	[bflag:$0x3] =	sbarrier.arrive $0xFFFF;
	s2 =	simm.s32 @!p0 $0x1C01  }
0x189: {  	[timem:s3], [sflag:s2] =	dma.local @!p0 [hbm:s0], s1  }
0x18a: {  	s0 =	simm.s32 @!p0 $0x1  }
0x18b: {  	_ =	swait.ge @!p0 [sflag:s0], s1  }
0x18c: {  	s1 =	ssub.s32 @!p0 $0x0, s1;
	[sflag:s0] =	ssyncset.done @!p0 $0x0  }
0x18d: {  	[sflag:s0] =	ssyncadd.s32 @!p0 s1  }
0x18e: {  	[bflag:$0x3] =	sbarrier.arrive $0xFFFF  }
0x18f: {  	_ =	shalt  }

</sc_bundles>
